<compile_context>
chip_gen: v7x
topology: tpu7x:2x2x1
jax: 0.10.2.dev20260603
libtpu: 0.0.44.dev20260713+nightly
codegen_flags: <defaults>
</compile_context>

<pallas_src>
import jax
import jax.numpy as jnp
from jax import lax
from jax.experimental import pallas as pl
from jax.experimental.pallas import tpu as pltpu
from jax.experimental.pallas import tpu_sc as plsc

N_NODES = 10000
N_EDGES = 320000
D = 128

NC = 2
NS = 16
NW = NC * NS
EPW = N_EDGES // NW
C = 80
NCHUNK = EPW // C
NI = 4
N_PAD = 10240
RPS = N_PAD // NS


def _sc_body(node_hbm, edge_hbm, src_hbm, dst_hbm, out_hbm,
             sidx0, sidx1, sidx2, sidx3, didx0, didx1, didx2, didx3,
             rows0, rows1, erows0, erows1, acc,
             isem0, isem1, isem2, isem3, gsem0, gsem1,
             esem0, esem1, ssem0, ssem1):
    cid = lax.axis_index("c")
    sid = lax.axis_index("s")
    wid = sid * NC + cid

    sidx = (sidx0, sidx1, sidx2, sidx3)
    didx = (didx0, didx1, didx2, didx3)
    rows = (rows0, rows1)
    erows = (erows0, erows1)
    isem = (isem0, isem1, isem2, isem3)
    gsem = (gsem0, gsem1)
    esem = (esem0, esem1)
    ssem = (ssem0, ssem1)

    def idx_fetch(t, r):
        base = wid * EPW + t * C
        pltpu.async_copy(src_hbm.at[pl.ds(base, C)], sidx[r], isem[r])
        pltpu.async_copy(dst_hbm.at[pl.ds(base, C)], didx[r], isem[r])

    def wait_idx(r):
        pltpu.make_async_copy(src_hbm.at[pl.ds(0, C)], sidx[r],
                              isem[r]).wait()
        pltpu.make_async_copy(dst_hbm.at[pl.ds(0, C)], didx[r],
                              isem[r]).wait()

    def issue_fetch(t, b, r):
        base = wid * EPW + t * C
        pltpu.async_copy(node_hbm.at[sidx[r]], rows[b], gsem[b])
        pltpu.async_copy(edge_hbm.at[pl.ds(base, C), :], erows[b], esem[b])

    def wait_fetch(b):
        pltpu.make_async_copy(node_hbm.at[pl.ds(0, C), :], rows[b],
                              gsem[b]).wait()
        pltpu.make_async_copy(edge_hbm.at[pl.ds(0, C), :], erows[b],
                              esem[b]).wait()

    def issue_scatter(t, b, r):
        pltpu.async_copy(rows[b], acc.at[didx[r]], ssem[b], add=True)
        pltpu.async_copy(erows[b], acc.at[didx[r]], ssem[b], add=True)

    def wait_scatter(b):
        pltpu.make_async_copy(rows[b], acc.at[pl.ds(0, C), :], ssem[b]).wait()
        pltpu.make_async_copy(erows[b], acc.at[pl.ds(0, C), :], ssem[b]).wait()

    idx_fetch(0, 0)
    idx_fetch(1, 1)
    idx_fetch(2, 2)

    z = jnp.zeros((16,), jnp.float32)

    def zero_row(rr, _):
        for j in range(D // 16):
            erows1[rr, pl.ds(j * 16, 16)] = z
        return 0

    lax.fori_loop(0, C, zero_row, 0)
    for k in range(RPS // C):
        pltpu.sync_copy(erows1, acc.at[pl.ds(sid * RPS + k * C, C), :])

    wait_idx(0)
    issue_fetch(0, 0, 0)
    plsc.subcore_barrier()

    def step(t, j, k):
        b = j % 2
        b1 = (j + 1) % 2
        r1 = (j + 1) % NI
        r3 = (j + 3) % NI
        wait_fetch(b)
        issue_scatter(t, b, j % NI)

        if j == 0:
            @pl.when(k > 0)
            def _():
                wait_scatter(b1)
        else:
            wait_scatter(b1)

        if j >= 2:
            @pl.when(k < NCHUNK // NI - 1)
            def _():
                idx_fetch(t + 3, r3)
        else:
            idx_fetch(t + 3, r3)

        wait_idx(r1)
        issue_fetch(t + 1, b1, r1)

    def quad(k, _):
        t0 = NI * k
        for j in range(NI):
            step(t0 + j, j, k)
        return 0

    lax.fori_loop(0, (NCHUNK - 1) // NI, quad, 0)

    wait_fetch(0)
    issue_scatter(NCHUNK - 1, 0, 0)
    wait_scatter(1)
    wait_scatter(0)
    plsc.subcore_barrier()

    pltpu.sync_copy(acc.at[pl.ds(sid * RPS, RPS), :],
                    out_hbm.at[cid, pl.ds(sid * RPS, RPS), :])


@jax.jit
def _sc_aggregate(node_feats, edge_feats, src_flat, dst_flat):
    mesh = plsc.VectorSubcoreMesh(core_axis_name="c", subcore_axis_name="s")
    f = pl.kernel(
        _sc_body,
        out_type=jax.ShapeDtypeStruct((NC, N_PAD, D), jnp.float32),
        mesh=mesh,
        scratch_types=[
            pltpu.VMEM((C,), jnp.int32),
            pltpu.VMEM((C,), jnp.int32),
            pltpu.VMEM((C,), jnp.int32),
            pltpu.VMEM((C,), jnp.int32),
            pltpu.VMEM((C,), jnp.int32),
            pltpu.VMEM((C,), jnp.int32),
            pltpu.VMEM((C,), jnp.int32),
            pltpu.VMEM((C,), jnp.int32),
            pltpu.VMEM((C, D), jnp.float32),
            pltpu.VMEM((C, D), jnp.float32),
            pltpu.VMEM((C, D), jnp.float32),
            pltpu.VMEM((C, D), jnp.float32),
            pltpu.VMEM_SHARED((N_PAD, D), jnp.float32),
        ] + [pltpu.SemaphoreType.DMA] * 10,
    )
    return f(node_feats, edge_feats, src_flat, dst_flat)


def _mlp_body(p_ref, w1_ref, b1_ref, w2_ref, b2_ref, o_ref):
    h = p_ref[0] + p_ref[1]
    a = jnp.dot(h, w1_ref[...], preferred_element_type=jnp.float32)
    a = jnp.maximum(a + b1_ref[...], 0.0)
    o = jnp.dot(a, w2_ref[...], preferred_element_type=jnp.float32)
    o_ref[...] = o + b2_ref[...]


@jax.jit
def _mlp(partials, W1, b1, W2, b2):
    B = 2000
    grid = (N_NODES // B,)
    return pl.pallas_call(
        _mlp_body,
        grid=grid,
        in_specs=[
            pl.BlockSpec((NC, B, D), lambda i: (0, i, 0)),
            pl.BlockSpec((D, 2 * D), lambda i: (0, 0)),
            pl.BlockSpec((1, 2 * D), lambda i: (0, 0)),
            pl.BlockSpec((2 * D, D), lambda i: (0, 0)),
            pl.BlockSpec((1, D), lambda i: (0, 0)),
        ],
        out_specs=pl.BlockSpec((B, D), lambda i: (i, 0)),
        out_shape=jax.ShapeDtypeStruct((N_NODES, D), jnp.float32),
    )(partials, W1, b1, W2, b2)


@jax.jit
def kernel(node_feats, edge_feats, edge_index, W1, b1, W2, b2):
    ei = edge_index.astype(jnp.int32)
    partials = _sc_aggregate(node_feats, edge_feats, ei[0], ei[1])
    return _mlp(partials, W1, b1.reshape(1, -1), W2, b2.reshape(1, -1))

# --- scband reference (transcript-rebuilt; emitter-appended) ---
"""Pipeline reference for scband-simple-gin-71579924955248 (READ-ONLY COPY).

The authoritative reference and input builder live on the scoring server;
editing this copy changes nothing except your own understanding.
"""

import jax, jax.numpy as jnp
import numpy as np

N_NODES = 10000
N_EDGES = 320000
D = 128


def setup_inputs(seed: int = 0) -> dict:
    key = jax.random.key(seed)
    k1, k2, k3, k4, k5 = jax.random.split(key, 5)
    node_feats = jax.random.normal(k1, (N_NODES, D), dtype=jnp.float32)
    edge_feats = jax.random.normal(k2, (N_EDGES, D), dtype=jnp.float32)
    edge_index = jax.random.randint(k3, (2, N_EDGES), 0, N_NODES, dtype=jnp.int64)
    # MLP params: Linear(D, 2D) -> ReLU -> Linear(2D, D)
    W1 = jax.random.normal(k4, (D, 2 * D), dtype=jnp.float32) / np.sqrt(D)
    b1 = jnp.zeros((2 * D,), dtype=jnp.float32)
    W2 = jax.random.normal(k5, (2 * D, D), dtype=jnp.float32) / np.sqrt(2 * D)
    b2 = jnp.zeros((D,), dtype=jnp.float32)
    return {
        "node_feats": node_feats,
        "edge_feats": edge_feats,
        "edge_index": edge_index,
        "W1": W1,
        "b1": b1,
        "W2": W2,
        "b2": b2,
    }


def reference(node_feats, edge_feats, edge_index, W1, b1, W2, b2):
    # DGL fn.u_add_e('h','h','m'): per-edge message = src node feat + edge feat
    src = edge_index[0]
    dst = edge_index[1]
    messages = jnp.take(node_feats, src, axis=0) + edge_feats  # gather (SparseCore)
    # fn.sum('m','h_out'): scatter-add messages into destination nodes
    h_out = jax.ops.segment_sum(messages, dst, num_segments=node_feats.shape[0])
    # MLP: Linear -> ReLU -> Linear
    h = jnp.maximum(h_out @ W1 + b1, 0.0)
    out = h @ W2 + b2
    return out

if __name__ == "__main__":
    import jax
    _d = setup_inputs()
    print(jax.jit(kernel)(*tuple(_d.values())))

</pallas_src>

<mosaic_0001>
#map = affine_map<(d0, d1) -> (0, 0)>
#map1 = affine_map<(d0, d1) -> (0)>
#map2 = affine_map<(d0, d1) -> (0, 0, 0)>
module attributes {stable_mosaic.version = 14 : i64} {
  func.func @_sc_body(%arg0: i32, %arg1: i32, %arg2: memref<10000x128xf32, #tpu.memory_space<hbm>>, %arg3: memref<320000x128xf32, #tpu.memory_space<hbm>>, %arg4: memref<320000xi32, #tpu.memory_space<hbm>>, %arg5: memref<320000xi32, #tpu.memory_space<hbm>>, %arg6: memref<2x10240x128xf32, #tpu.memory_space<hbm>>, %arg7: memref<80xi32, #tpu.memory_space<vmem>>, %arg8: memref<80xi32, #tpu.memory_space<vmem>>, %arg9: memref<80xi32, #tpu.memory_space<vmem>>, %arg10: memref<80xi32, #tpu.memory_space<vmem>>, %arg11: memref<80xi32, #tpu.memory_space<vmem>>, %arg12: memref<80xi32, #tpu.memory_space<vmem>>, %arg13: memref<80xi32, #tpu.memory_space<vmem>>, %arg14: memref<80xi32, #tpu.memory_space<vmem>>, %arg15: memref<80x128xf32, #tpu.memory_space<vmem>>, %arg16: memref<80x128xf32, #tpu.memory_space<vmem>>, %arg17: memref<80x128xf32, #tpu.memory_space<vmem>>, %arg18: memref<80x128xf32, #tpu.memory_space<vmem>>, %arg19: memref<10240x128xf32, #tpu.memory_space<vmem_shared>>, %arg20: memref<!tpu.dma_semaphore, #tpu.memory_space<semaphore_mem>>, %arg21: memref<!tpu.dma_semaphore, #tpu.memory_space<semaphore_mem>>, %arg22: memref<!tpu.dma_semaphore, #tpu.memory_space<semaphore_mem>>, %arg23: memref<!tpu.dma_semaphore, #tpu.memory_space<semaphore_mem>>, %arg24: memref<!tpu.dma_semaphore, #tpu.memory_space<semaphore_mem>>, %arg25: memref<!tpu.dma_semaphore, #tpu.memory_space<semaphore_mem>>, %arg26: memref<!tpu.dma_semaphore, #tpu.memory_space<semaphore_mem>>, %arg27: memref<!tpu.dma_semaphore, #tpu.memory_space<semaphore_mem>>, %arg28: memref<!tpu.dma_semaphore, #tpu.memory_space<semaphore_mem>>, %arg29: memref<!tpu.dma_semaphore, #tpu.memory_space<semaphore_mem>>) attributes {dimension_semantics = [#tpu.dimension_semantics<core_parallel>, #tpu.dimension_semantics<subcore_parallel>], iteration_bounds = array<i64: 2, 16>, scalar_prefetch = 0 : i64, scratch_operands = 23 : i64, tpu.core_type = #tpu.core_type<sc_vector_subcore>, window_params = [{transform_indices = #map}, {transform_indices = #map}, {transform_indices = #map1}, {transform_indices = #map1}, {transform_indices = #map2}]} {
    %mul3A = arith.constant 2 : i32
    %mul3A_0 = arith.muli %arg1, %mul3A : i32
    %add3A = arith.addi %mul3A_0, %arg0 : i32
    %mul3A_1 = arith.constant 10000 : i32
    %mul3A_2 = arith.muli %add3A, %mul3A_1 : i32
    %add3A_3 = arith.constant 0 : i32
    %add3A_4 = arith.addi %mul3A_2, %add3A_3 : i32
    %dma_start3A = tpu.memref_slice %arg4[%add3A_4] : memref<320000xi32, #tpu.memory_space<hbm>> -> memref<80xi32, #tpu.memory_space<hbm>>
    %dma_start3A_5 = tpu.memref_slice %arg4[%add3A_4] : memref<320000xi32, #tpu.memory_space<hbm>> -> memref<80xi32, #tpu.memory_space<hbm>>
    tpu.enqueue_dma source(%dma_start3A_5 : memref<80xi32, #tpu.memory_space<hbm>>) target(%arg7 : memref<80xi32, #tpu.memory_space<vmem>>) target_semaphore(%arg20 : memref<!tpu.dma_semaphore, #tpu.memory_space<semaphore_mem>>)
    %dma_start3A_6 = tpu.memref_slice %arg5[%add3A_4] : memref<320000xi32, #tpu.memory_space<hbm>> -> memref<80xi32, #tpu.memory_space<hbm>>
    %dma_start3A_7 = tpu.memref_slice %arg5[%add3A_4] : memref<320000xi32, #tpu.memory_space<hbm>> -> memref<80xi32, #tpu.memory_space<hbm>>
    tpu.enqueue_dma source(%dma_start3A_7 : memref<80xi32, #tpu.memory_space<hbm>>) target(%arg11 : memref<80xi32, #tpu.memory_space<vmem>>) target_semaphore(%arg20 : memref<!tpu.dma_semaphore, #tpu.memory_space<semaphore_mem>>)
    %mul3A_8 = arith.constant 10000 : i32
    %mul3A_9 = arith.muli %add3A, %mul3A_8 : i32
    %add3A_10 = arith.constant 80 : i32
    %add3A_11 = arith.addi %mul3A_9, %add3A_10 : i32
    %dma_start3A_12 = tpu.memref_slice %arg4[%add3A_11] : memref<320000xi32, #tpu.memory_space<hbm>> -> memref<80xi32, #tpu.memory_space<hbm>>
    %dma_start3A_13 = tpu.memref_slice %arg4[%add3A_11] : memref<320000xi32, #tpu.memory_space<hbm>> -> memref<80xi32, #tpu.memory_space<hbm>>
    tpu.enqueue_dma source(%dma_start3A_13 : memref<80xi32, #tpu.memory_space<hbm>>) target(%arg8 : memref<80xi32, #tpu.memory_space<vmem>>) target_semaphore(%arg21 : memref<!tpu.dma_semaphore, #tpu.memory_space<semaphore_mem>>)
    %dma_start3A_14 = tpu.memref_slice %arg5[%add3A_11] : memref<320000xi32, #tpu.memory_space<hbm>> -> memref<80xi32, #tpu.memory_space<hbm>>
    %dma_start3A_15 = tpu.memref_slice %arg5[%add3A_11] : memref<320000xi32, #tpu.memory_space<hbm>> -> memref<80xi32, #tpu.memory_space<hbm>>
    tpu.enqueue_dma source(%dma_start3A_15 : memref<80xi32, #tpu.memory_space<hbm>>) target(%arg12 : memref<80xi32, #tpu.memory_space<vmem>>) target_semaphore(%arg21 : memref<!tpu.dma_semaphore, #tpu.memory_space<semaphore_mem>>)
    %mul3A_16 = arith.constant 10000 : i32
    %mul3A_17 = arith.muli %add3A, %mul3A_16 : i32
    %add3A_18 = arith.constant 160 : i32
    %add3A_19 = arith.addi %mul3A_17, %add3A_18 : i32
    %dma_start3A_20 = tpu.memref_slice %arg4[%add3A_19] : memref<320000xi32, #tpu.memory_space<hbm>> -> memref<80xi32, #tpu.memory_space<hbm>>
    %dma_start3A_21 = tpu.memref_slice %arg4[%add3A_19] : memref<320000xi32, #tpu.memory_space<hbm>> -> memref<80xi32, #tpu.memory_space<hbm>>
    tpu.enqueue_dma source(%dma_start3A_21 : memref<80xi32, #tpu.memory_space<hbm>>) target(%arg9 : memref<80xi32, #tpu.memory_space<vmem>>) target_semaphore(%arg22 : memref<!tpu.dma_semaphore, #tpu.memory_space<semaphore_mem>>)
    %dma_start3A_22 = tpu.memref_slice %arg5[%add3A_19] : memref<320000xi32, #tpu.memory_space<hbm>> -> memref<80xi32, #tpu.memory_space<hbm>>
    %dma_start3A_23 = tpu.memref_slice %arg5[%add3A_19] : memref<320000xi32, #tpu.memory_space<hbm>> -> memref<80xi32, #tpu.memory_space<hbm>>
    tpu.enqueue_dma source(%dma_start3A_23 : memref<80xi32, #tpu.memory_space<hbm>>) target(%arg13 : memref<80xi32, #tpu.memory_space<vmem>>) target_semaphore(%arg22 : memref<!tpu.dma_semaphore, #tpu.memory_space<semaphore_mem>>)
    %broadcast_in_dim3A = arith.constant 0.000000e+00 : f32
    %broadcast_in_dim3A_24 = vector.broadcast %broadcast_in_dim3A : f32 to vector<16xf32>
    %scan3A = arith.constant 0 : i32
    %scan3A_25 = arith.constant 0 : i32
    %scan3A_26 = arith.constant 80 : i32
    %scan3A_27 = arith.addi %scan3A_25, %scan3A_26 : i32
    %scan3A_28 = arith.constant 1 : i32
    %scan3A_29 = scf.for %scan3A_135 = %scan3A_25 to %scan3A_27 step %scan3A_28 iter_args(%scan3A_136 = %scan3A) -> (i32)  : i32 {
      %swap3A = arith.index_cast %scan3A_135 : i32 to index
      %swap3A_137 = arith.constant 0 : index
      %swap3A_138 = tpu.vector_load %arg18[%swap3A, %swap3A_137] {strides = array<i32>} : memref<80x128xf32, #tpu.memory_space<vmem>>, vector<1x16xf32>,
      %swap3A_139 = vector.shape_cast %swap3A_138 : vector<1x16xf32> to vector<16xf32>
      %swap3A_140 = vector.shape_cast %broadcast_in_dim3A_24 : vector<16xf32> to vector<1x16xf32>
      tpu.vector_store %arg18[%swap3A, %swap3A_137], %swap3A_140 {strides = array<i32>} : memref<80x128xf32, #tpu.memory_space<vmem>>, vector<1x16xf32>,
      %swap3A_141 = arith.index_cast %scan3A_135 : i32 to index
      %swap3A_142 = arith.constant 16 : index
      %swap3A_143 = tpu.vector_load %arg18[%swap3A_141, %swap3A_142] {strides = array<i32>} : memref<80x128xf32, #tpu.memory_space<vmem>>, vector<1x16xf32>,
      %swap3A_144 = vector.shape_cast %swap3A_143 : vector<1x16xf32> to vector<16xf32>
      %swap3A_145 = vector.shape_cast %broadcast_in_dim3A_24 : vector<16xf32> to vector<1x16xf32>
      tpu.vector_store %arg18[%swap3A_141, %swap3A_142], %swap3A_145 {strides = array<i32>} : memref<80x128xf32, #tpu.memory_space<vmem>>, vector<1x16xf32>,
      %swap3A_146 = arith.index_cast %scan3A_135 : i32 to index
      %swap3A_147 = arith.constant 32 : index
      %swap3A_148 = tpu.vector_load %arg18[%swap3A_146, %swap3A_147] {strides = array<i32>} : memref<80x128xf32, #tpu.memory_space<vmem>>, vector<1x16xf32>,
      %swap3A_149 = vector.shape_cast %swap3A_148 : vector<1x16xf32> to vector<16xf32>
      %swap3A_150 = vector.shape_cast %broadcast_in_dim3A_24 : vector<16xf32> to vector<1x16xf32>
      tpu.vector_store %arg18[%swap3A_146, %swap3A_147], %swap3A_150 {strides = array<i32>} : memref<80x128xf32, #tpu.memory_space<vmem>>, vector<1x16xf32>,
      %swap3A_151 = arith.index_cast %scan3A_135 : i32 to index
      %swap3A_152 = arith.constant 48 : index
      %swap3A_153 = tpu.vector_load %arg18[%swap3A_151, %swap3A_152] {strides = array<i32>} : memref<80x128xf32, #tpu.memory_space<vmem>>, vector<1x16xf32>,
      %swap3A_154 = vector.shape_cast %swap3A_153 : vector<1x16xf32> to vector<16xf32>
      %swap3A_155 = vector.shape_cast %broadcast_in_dim3A_24 : vector<16xf32> to vector<1x16xf32>
      tpu.vector_store %arg18[%swap3A_151, %swap3A_152], %swap3A_155 {strides = array<i32>} : memref<80x128xf32, #tpu.memory_space<vmem>>, vector<1x16xf32>,
      %swap3A_156 = arith.index_cast %scan3A_135 : i32 to index
      %swap3A_157 = arith.constant 64 : index
      %swap3A_158 = tpu.vector_load %arg18[%swap3A_156, %swap3A_157] {strides = array<i32>} : memref<80x128xf32, #tpu.memory_space<vmem>>, vector<1x16xf32>,
      %swap3A_159 = vector.shape_cast %swap3A_158 : vector<1x16xf32> to vector<16xf32>
      %swap3A_160 = vector.shape_cast %broadcast_in_dim3A_24 : vector<16xf32> to vector<1x16xf32>
      tpu.vector_store %arg18[%swap3A_156, %swap3A_157], %swap3A_160 {strides = array<i32>} : memref<80x128xf32, #tpu.memory_space<vmem>>, vector<1x16xf32>,
      %swap3A_161 = arith.index_cast %scan3A_135 : i32 to index
      %swap3A_162 = arith.constant 80 : index
      %swap3A_163 = tpu.vector_load %arg18[%swap3A_161, %swap3A_162] {strides = array<i32>} : memref<80x128xf32, #tpu.memory_space<vmem>>, vector<1x16xf32>,
      %swap3A_164 = vector.shape_cast %swap3A_163 : vector<1x16xf32> to vector<16xf32>
      %swap3A_165 = vector.shape_cast %broadcast_in_dim3A_24 : vector<16xf32> to vector<1x16xf32>
      tpu.vector_store %arg18[%swap3A_161, %swap3A_162], %swap3A_165 {strides = array<i32>} : memref<80x128xf32, #tpu.memory_space<vmem>>, vector<1x16xf32>,
      %swap3A_166 = arith.index_cast %scan3A_135 : i32 to index
      %swap3A_167 = arith.constant 96 : index
      %swap3A_168 = tpu.vector_load %arg18[%swap3A_166, %swap3A_167] {strides = array<i32>} : memref<80x128xf32, #tpu.memory_space<vmem>>, vector<1x16xf32>,
      %swap3A_169 = vector.shape_cast %swap3A_168 : vector<1x16xf32> to vector<16xf32>
      %swap3A_170 = vector.shape_cast %broadcast_in_dim3A_24 : vector<16xf32> to vector<1x16xf32>
      tpu.vector_store %arg18[%swap3A_166, %swap3A_167], %swap3A_170 {strides = array<i32>} : memref<80x128xf32, #tpu.memory_space<vmem>>, vector<1x16xf32>,
      %swap3A_171 = arith.index_cast %scan3A_135 : i32 to index
      %swap3A_172 = arith.constant 112 : index
      %swap3A_173 = tpu.vector_load %arg18[%swap3A_171, %swap3A_172] {strides = array<i32>} : memref<80x128xf32, #tpu.memory_space<vmem>>, vector<1x16xf32>,
      %swap3A_174 = vector.shape_cast %swap3A_173 : vector<1x16xf32> to vector<16xf32>
      %swap3A_175 = vector.shape_cast %broadcast_in_dim3A_24 : vector<16xf32> to vector<1x16xf32>
      tpu.vector_store %arg18[%swap3A_171, %swap3A_172], %swap3A_175 {strides = array<i32>} : memref<80x128xf32, #tpu.memory_space<vmem>>, vector<1x16xf32>,
      %scan3A_176 = arith.constant 0 : i32
      scf.yield %scan3A_176 : i32
    }
    %scan3A_30 = arith.constant 80 : i32
    %mul3A_31 = arith.constant 640 : i32
    %mul3A_32 = arith.muli %arg1, %mul3A_31 : i32
    %add3A_33 = arith.constant 0 : i32
    %add3A_34 = arith.addi %mul3A_32, %add3A_33 : i32
    "tpu.region"() ({
      %run_scoped3A = tpu.sem_alloc : memref<!tpu.dma_semaphore, #tpu.memory_space<semaphore_mem>>
      %dma_start3A_135 = arith.constant 0 : i32
      %dma_start3A_136 = tpu.memref_slice %arg19[%add3A_34, %dma_start3A_135] : memref<10240x128xf32, #tpu.memory_space<vmem_shared>> -> memref<80x128xf32, #tpu.memory_space<vmem_shared>>
      %dma_start3A_137 = arith.constant 0 : i32
      %dma_start3A_138 = tpu.memref_slice %arg19[%add3A_34, %dma_start3A_137] : memref<10240x128xf32, #tpu.memory_space<vmem_shared>> -> memref<80x128xf32, #tpu.memory_space<vmem_shared>>
      tpu.enqueue_dma source(%arg18 : memref<80x128xf32, #tpu.memory_space<vmem>>) target(%dma_start3A_138 : memref<80x128xf32, #tpu.memory_space<vmem_shared>>) target_semaphore(%run_scoped3A : memref<!tpu.dma_semaphore, #tpu.memory_space<semaphore_mem>>)
      %dma_wait3A_139 = arith.constant 0 : i32
      %dma_wait3A_140 = tpu.memref_slice %arg19[%add3A_34, %dma_wait3A_139] : memref<10240x128xf32, #tpu.memory_space<vmem_shared>> -> memref<80x128xf32, #tpu.memory_space<vmem_shared>>
      %dma_wait3A_141 = arith.constant 0 : i32
      %dma_wait3A_142 = tpu.memref_slice %arg19[%add3A_34, %dma_wait3A_141] : memref<10240x128xf32, #tpu.memory_space<vmem_shared>> -> memref<80x128xf32, #tpu.memory_space<vmem_shared>>
      tpu.wait_dma2 semaphore(%run_scoped3A : memref<!tpu.dma_semaphore, #tpu.memory_space<semaphore_mem>>) src(%arg18 : memref<80x128xf32, #tpu.memory_space<vmem>>) dst(%dma_wait3A_142 : memref<80x128xf32, #tpu.memory_space<vmem_shared>>)
      tpu.yield
    }) : () -> ()
    %mul3A_35 = arith.constant 640 : i32
    %mul3A_36 = arith.muli %arg1, %mul3A_35 : i32
    %add3A_37 = arith.constant 80 : i32
    %add3A_38 = arith.addi %mul3A_36, %add3A_37 : i32
    "tpu.region"() ({
      %run_scoped3A = tpu.sem_alloc : memref<!tpu.dma_semaphore, #tpu.memory_space<semaphore_mem>>
      %dma_start3A_135 = arith.constant 0 : i32
      %dma_start3A_136 = tpu.memref_slice %arg19[%add3A_38, %dma_start3A_135] : memref<10240x128xf32, #tpu.memory_space<vmem_shared>> -> memref<80x128xf32, #tpu.memory_space<vmem_shared>>
      %dma_start3A_137 = arith.constant 0 : i32
      %dma_start3A_138 = tpu.memref_slice %arg19[%add3A_38, %dma_start3A_137] : memref<10240x128xf32, #tpu.memory_space<vmem_shared>> -> memref<80x128xf32, #tpu.memory_space<vmem_shared>>
      tpu.enqueue_dma source(%arg18 : memref<80x128xf32, #tpu.memory_space<vmem>>) target(%dma_start3A_138 : memref<80x128xf32, #tpu.memory_space<vmem_shared>>) target_semaphore(%run_scoped3A : memref<!tpu.dma_semaphore, #tpu.memory_space<semaphore_mem>>)
      %dma_wait3A_139 = arith.constant 0 : i32
      %dma_wait3A_140 = tpu.memref_slice %arg19[%add3A_38, %dma_wait3A_139] : memref<10240x128xf32, #tpu.memory_space<vmem_shared>> -> memref<80x128xf32, #tpu.memory_space<vmem_shared>>
      %dma_wait3A_141 = arith.constant 0 : i32
      %dma_wait3A_142 = tpu.memref_slice %arg19[%add3A_38, %dma_wait3A_141] : memref<10240x128xf32, #tpu.memory_space<vmem_shared>> -> memref<80x128xf32, #tpu.memory_space<vmem_shared>>
      tpu.wait_dma2 semaphore(%run_scoped3A : memref<!tpu.dma_semaphore, #tpu.memory_space<semaphore_mem>>) src(%arg18 : memref<80x128xf32, #tpu.memory_space<vmem>>) dst(%dma_wait3A_142 : memref<80x128xf32, #tpu.memory_space<vmem_shared>>)
      tpu.yield
    }) : () -> ()
    %mul3A_39 = arith.constant 640 : i32
    %mul3A_40 = arith.muli %arg1, %mul3A_39 : i32
    %add3A_41 = arith.constant 160 : i32
    %add3A_42 = arith.addi %mul3A_40, %add3A_41 : i32
    "tpu.region"() ({
      %run_scoped3A = tpu.sem_alloc : memref<!tpu.dma_semaphore, #tpu.memory_space<semaphore_mem>>
      %dma_start3A_135 = arith.constant 0 : i32
      %dma_start3A_136 = tpu.memref_slice %arg19[%add3A_42, %dma_start3A_135] : memref<10240x128xf32, #tpu.memory_space<vmem_shared>> -> memref<80x128xf32, #tpu.memory_space<vmem_shared>>
      %dma_start3A_137 = arith.constant 0 : i32
      %dma_start3A_138 = tpu.memref_slice %arg19[%add3A_42, %dma_start3A_137] : memref<10240x128xf32, #tpu.memory_space<vmem_shared>> -> memref<80x128xf32, #tpu.memory_space<vmem_shared>>
      tpu.enqueue_dma source(%arg18 : memref<80x128xf32, #tpu.memory_space<vmem>>) target(%dma_start3A_138 : memref<80x128xf32, #tpu.memory_space<vmem_shared>>) target_semaphore(%run_scoped3A : memref<!tpu.dma_semaphore, #tpu.memory_space<semaphore_mem>>)
      %dma_wait3A_139 = arith.constant 0 : i32
      %dma_wait3A_140 = tpu.memref_slice %arg19[%add3A_42, %dma_wait3A_139] : memref<10240x128xf32, #tpu.memory_space<vmem_shared>> -> memref<80x128xf32, #tpu.memory_space<vmem_shared>>
      %dma_wait3A_141 = arith.constant 0 : i32
      %dma_wait3A_142 = tpu.memref_slice %arg19[%add3A_42, %dma_wait3A_141] : memref<10240x128xf32, #tpu.memory_space<vmem_shared>> -> memref<80x128xf32, #tpu.memory_space<vmem_shared>>
      tpu.wait_dma2 semaphore(%run_scoped3A : memref<!tpu.dma_semaphore, #tpu.memory_space<semaphore_mem>>) src(%arg18 : memref<80x128xf32, #tpu.memory_space<vmem>>) dst(%dma_wait3A_142 : memref<80x128xf32, #tpu.memory_space<vmem_shared>>)
      tpu.yield
    }) : () -> ()
    %mul3A_43 = arith.constant 640 : i32
    %mul3A_44 = arith.muli %arg1, %mul3A_43 : i32
    %add3A_45 = arith.constant 240 : i32
    %add3A_46 = arith.addi %mul3A_44, %add3A_45 : i32
    "tpu.region"() ({
      %run_scoped3A = tpu.sem_alloc : memref<!tpu.dma_semaphore, #tpu.memory_space<semaphore_mem>>
      %dma_start3A_135 = arith.constant 0 : i32
      %dma_start3A_136 = tpu.memref_slice %arg19[%add3A_46, %dma_start3A_135] : memref<10240x128xf32, #tpu.memory_space<vmem_shared>> -> memref<80x128xf32, #tpu.memory_space<vmem_shared>>
      %dma_start3A_137 = arith.constant 0 : i32
      %dma_start3A_138 = tpu.memref_slice %arg19[%add3A_46, %dma_start3A_137] : memref<10240x128xf32, #tpu.memory_space<vmem_shared>> -> memref<80x128xf32, #tpu.memory_space<vmem_shared>>
      tpu.enqueue_dma source(%arg18 : memref<80x128xf32, #tpu.memory_space<vmem>>) target(%dma_start3A_138 : memref<80x128xf32, #tpu.memory_space<vmem_shared>>) target_semaphore(%run_scoped3A : memref<!tpu.dma_semaphore, #tpu.memory_space<semaphore_mem>>)
      %dma_wait3A_139 = arith.constant 0 : i32
      %dma_wait3A_140 = tpu.memref_slice %arg19[%add3A_46, %dma_wait3A_139] : memref<10240x128xf32, #tpu.memory_space<vmem_shared>> -> memref<80x128xf32, #tpu.memory_space<vmem_shared>>
      %dma_wait3A_141 = arith.constant 0 : i32
      %dma_wait3A_142 = tpu.memref_slice %arg19[%add3A_46, %dma_wait3A_141] : memref<10240x128xf32, #tpu.memory_space<vmem_shared>> -> memref<80x128xf32, #tpu.memory_space<vmem_shared>>
      tpu.wait_dma2 semaphore(%run_scoped3A : memref<!tpu.dma_semaphore, #tpu.memory_space<semaphore_mem>>) src(%arg18 : memref<80x128xf32, #tpu.memory_space<vmem>>) dst(%dma_wait3A_142 : memref<80x128xf32, #tpu.memory_space<vmem_shared>>)
      tpu.yield
    }) : () -> ()
    %mul3A_47 = arith.constant 640 : i32
    %mul3A_48 = arith.muli %arg1, %mul3A_47 : i32
    %add3A_49 = arith.constant 320 : i32
    %add3A_50 = arith.addi %mul3A_48, %add3A_49 : i32
    "tpu.region"() ({
      %run_scoped3A = tpu.sem_alloc : memref<!tpu.dma_semaphore, #tpu.memory_space<semaphore_mem>>
      %dma_start3A_135 = arith.constant 0 : i32
      %dma_start3A_136 = tpu.memref_slice %arg19[%add3A_50, %dma_start3A_135] : memref<10240x128xf32, #tpu.memory_space<vmem_shared>> -> memref<80x128xf32, #tpu.memory_space<vmem_shared>>
      %dma_start3A_137 = arith.constant 0 : i32
      %dma_start3A_138 = tpu.memref_slice %arg19[%add3A_50, %dma_start3A_137] : memref<10240x128xf32, #tpu.memory_space<vmem_shared>> -> memref<80x128xf32, #tpu.memory_space<vmem_shared>>
      tpu.enqueue_dma source(%arg18 : memref<80x128xf32, #tpu.memory_space<vmem>>) target(%dma_start3A_138 : memref<80x128xf32, #tpu.memory_space<vmem_shared>>) target_semaphore(%run_scoped3A : memref<!tpu.dma_semaphore, #tpu.memory_space<semaphore_mem>>)
      %dma_wait3A_139 = arith.constant 0 : i32
      %dma_wait3A_140 = tpu.memref_slice %arg19[%add3A_50, %dma_wait3A_139] : memref<10240x128xf32, #tpu.memory_space<vmem_shared>> -> memref<80x128xf32, #tpu.memory_space<vmem_shared>>
      %dma_wait3A_141 = arith.constant 0 : i32
      %dma_wait3A_142 = tpu.memref_slice %arg19[%add3A_50, %dma_wait3A_141] : memref<10240x128xf32, #tpu.memory_space<vmem_shared>> -> memref<80x128xf32, #tpu.memory_space<vmem_shared>>
      tpu.wait_dma2 semaphore(%run_scoped3A : memref<!tpu.dma_semaphore, #tpu.memory_space<semaphore_mem>>) src(%arg18 : memref<80x128xf32, #tpu.memory_space<vmem>>) dst(%dma_wait3A_142 : memref<80x128xf32, #tpu.memory_space<vmem_shared>>)
      tpu.yield
    }) : () -> ()
    %mul3A_51 = arith.constant 640 : i32
    %mul3A_52 = arith.muli %arg1, %mul3A_51 : i32
    %add3A_53 = arith.constant 400 : i32
    %add3A_54 = arith.addi %mul3A_52, %add3A_53 : i32
    "tpu.region"() ({
      %run_scoped3A = tpu.sem_alloc : memref<!tpu.dma_semaphore, #tpu.memory_space<semaphore_mem>>
      %dma_start3A_135 = arith.constant 0 : i32
      %dma_start3A_136 = tpu.memref_slice %arg19[%add3A_54, %dma_start3A_135] : memref<10240x128xf32, #tpu.memory_space<vmem_shared>> -> memref<80x128xf32, #tpu.memory_space<vmem_shared>>
      %dma_start3A_137 = arith.constant 0 : i32
      %dma_start3A_138 = tpu.memref_slice %arg19[%add3A_54, %dma_start3A_137] : memref<10240x128xf32, #tpu.memory_space<vmem_shared>> -> memref<80x128xf32, #tpu.memory_space<vmem_shared>>
      tpu.enqueue_dma source(%arg18 : memref<80x128xf32, #tpu.memory_space<vmem>>) target(%dma_start3A_138 : memref<80x128xf32, #tpu.memory_space<vmem_shared>>) target_semaphore(%run_scoped3A : memref<!tpu.dma_semaphore, #tpu.memory_space<semaphore_mem>>)
      %dma_wait3A_139 = arith.constant 0 : i32
      %dma_wait3A_140 = tpu.memref_slice %arg19[%add3A_54, %dma_wait3A_139] : memref<10240x128xf32, #tpu.memory_space<vmem_shared>> -> memref<80x128xf32, #tpu.memory_space<vmem_shared>>
      %dma_wait3A_141 = arith.constant 0 : i32
      %dma_wait3A_142 = tpu.memref_slice %arg19[%add3A_54, %dma_wait3A_141] : memref<10240x128xf32, #tpu.memory_space<vmem_shared>> -> memref<80x128xf32, #tpu.memory_space<vmem_shared>>
      tpu.wait_dma2 semaphore(%run_scoped3A : memref<!tpu.dma_semaphore, #tpu.memory_space<semaphore_mem>>) src(%arg18 : memref<80x128xf32, #tpu.memory_space<vmem>>) dst(%dma_wait3A_142 : memref<80x128xf32, #tpu.memory_space<vmem_shared>>)
      tpu.yield
    }) : () -> ()
    %mul3A_55 = arith.constant 640 : i32
    %mul3A_56 = arith.muli %arg1, %mul3A_55 : i32
    %add3A_57 = arith.constant 480 : i32
    %add3A_58 = arith.addi %mul3A_56, %add3A_57 : i32
    "tpu.region"() ({
      %run_scoped3A = tpu.sem_alloc : memref<!tpu.dma_semaphore, #tpu.memory_space<semaphore_mem>>
      %dma_start3A_135 = arith.constant 0 : i32
      %dma_start3A_136 = tpu.memref_slice %arg19[%add3A_58, %dma_start3A_135] : memref<10240x128xf32, #tpu.memory_space<vmem_shared>> -> memref<80x128xf32, #tpu.memory_space<vmem_shared>>
      %dma_start3A_137 = arith.constant 0 : i32
      %dma_start3A_138 = tpu.memref_slice %arg19[%add3A_58, %dma_start3A_137] : memref<10240x128xf32, #tpu.memory_space<vmem_shared>> -> memref<80x128xf32, #tpu.memory_space<vmem_shared>>
      tpu.enqueue_dma source(%arg18 : memref<80x128xf32, #tpu.memory_space<vmem>>) target(%dma_start3A_138 : memref<80x128xf32, #tpu.memory_space<vmem_shared>>) target_semaphore(%run_scoped3A : memref<!tpu.dma_semaphore, #tpu.memory_space<semaphore_mem>>)
      %dma_wait3A_139 = arith.constant 0 : i32
      %dma_wait3A_140 = tpu.memref_slice %arg19[%add3A_58, %dma_wait3A_139] : memref<10240x128xf32, #tpu.memory_space<vmem_shared>> -> memref<80x128xf32, #tpu.memory_space<vmem_shared>>
      %dma_wait3A_141 = arith.constant 0 : i32
      %dma_wait3A_142 = tpu.memref_slice %arg19[%add3A_58, %dma_wait3A_141] : memref<10240x128xf32, #tpu.memory_space<vmem_shared>> -> memref<80x128xf32, #tpu.memory_space<vmem_shared>>
      tpu.wait_dma2 semaphore(%run_scoped3A : memref<!tpu.dma_semaphore, #tpu.memory_space<semaphore_mem>>) src(%arg18 : memref<80x128xf32, #tpu.memory_space<vmem>>) dst(%dma_wait3A_142 : memref<80x128xf32, #tpu.memory_space<vmem_shared>>)
      tpu.yield
    }) : () -> ()
    %mul3A_59 = arith.constant 640 : i32
    %mul3A_60 = arith.muli %arg1, %mul3A_59 : i32
    %add3A_61 = arith.constant 560 : i32
    %add3A_62 = arith.addi %mul3A_60, %add3A_61 : i32
    "tpu.region"() ({
      %run_scoped3A = tpu.sem_alloc : memref<!tpu.dma_semaphore, #tpu.memory_space<semaphore_mem>>
      %dma_start3A_135 = arith.constant 0 : i32
      %dma_start3A_136 = tpu.memref_slice %arg19[%add3A_62, %dma_start3A_135] : memref<10240x128xf32, #tpu.memory_space<vmem_shared>> -> memref<80x128xf32, #tpu.memory_space<vmem_shared>>
      %dma_start3A_137 = arith.constant 0 : i32
      %dma_start3A_138 = tpu.memref_slice %arg19[%add3A_62, %dma_start3A_137] : memref<10240x128xf32, #tpu.memory_space<vmem_shared>> -> memref<80x128xf32, #tpu.memory_space<vmem_shared>>
      tpu.enqueue_dma source(%arg18 : memref<80x128xf32, #tpu.memory_space<vmem>>) target(%dma_start3A_138 : memref<80x128xf32, #tpu.memory_space<vmem_shared>>) target_semaphore(%run_scoped3A : memref<!tpu.dma_semaphore, #tpu.memory_space<semaphore_mem>>)
      %dma_wait3A_139 = arith.constant 0 : i32
      %dma_wait3A_140 = tpu.memref_slice %arg19[%add3A_62, %dma_wait3A_139] : memref<10240x128xf32, #tpu.memory_space<vmem_shared>> -> memref<80x128xf32, #tpu.memory_space<vmem_shared>>
      %dma_wait3A_141 = arith.constant 0 : i32
      %dma_wait3A_142 = tpu.memref_slice %arg19[%add3A_62, %dma_wait3A_141] : memref<10240x128xf32, #tpu.memory_space<vmem_shared>> -> memref<80x128xf32, #tpu.memory_space<vmem_shared>>
      tpu.wait_dma2 semaphore(%run_scoped3A : memref<!tpu.dma_semaphore, #tpu.memory_space<semaphore_mem>>) src(%arg18 : memref<80x128xf32, #tpu.memory_space<vmem>>) dst(%dma_wait3A_142 : memref<80x128xf32, #tpu.memory_space<vmem_shared>>)
      tpu.yield
    }) : () -> ()
    %dma_wait3A = arith.constant 0 : i32
    %dma_wait3A_63 = tpu.memref_slice %arg4[%dma_wait3A] : memref<320000xi32, #tpu.memory_space<hbm>> -> memref<80xi32, #tpu.memory_space<hbm>>
    %dma_wait3A_64 = arith.constant 0 : i32
    %dma_wait3A_65 = tpu.memref_slice %arg4[%dma_wait3A_64] : memref<320000xi32, #tpu.memory_space<hbm>> -> memref<80xi32, #tpu.memory_space<hbm>>
    tpu.wait_dma2 semaphore(%arg20 : memref<!tpu.dma_semaphore, #tpu.memory_space<semaphore_mem>>) src(%dma_wait3A_65 : memref<80xi32, #tpu.memory_space<hbm>>) dst(%arg7 : memref<80xi32, #tpu.memory_space<vmem>>)
    %dma_wait3A_66 = arith.constant 0 : i32
    %dma_wait3A_67 = tpu.memref_slice %arg5[%dma_wait3A_66] : memref<320000xi32, #tpu.memory_space<hbm>> -> memref<80xi32, #tpu.memory_space<hbm>>
    %dma_wait3A_68 = arith.constant 0 : i32
    %dma_wait3A_69 = tpu.memref_slice %arg5[%dma_wait3A_68] : memref<320000xi32, #tpu.memory_space<hbm>> -> memref<80xi32, #tpu.memory_space<hbm>>
    tpu.wait_dma2 semaphore(%arg20 : memref<!tpu.dma_semaphore, #tpu.memory_space<semaphore_mem>>) src(%dma_wait3A_69 : memref<80xi32, #tpu.memory_space<hbm>>) dst(%arg11 : memref<80xi32, #tpu.memory_space<vmem>>)
    %mul3A_70 = arith.constant 10000 : i32
    %mul3A_71 = arith.muli %add3A, %mul3A_70 : i32
    %add3A_72 = arith.constant 0 : i32
    %add3A_73 = arith.addi %mul3A_71, %add3A_72 : i32
    %dma_start3A_74 = arith.constant 0 : i32
    %dma_start3A_75 = arith.constant 0 : i32
    %dma_start3A_76 = tpu.memref_slice %arg2[%dma_start3A_74, %dma_start3A_75] : memref<10000x128xf32, #tpu.memory_space<hbm>> -> memref<10000x128xf32, #tpu.memory_space<hbm>>
    tpu.enqueue_indirect_dma source(%dma_start3A_76 : memref<10000x128xf32, #tpu.memory_space<hbm>>) target(%arg15 : memref<80x128xf32, #tpu.memory_space<vmem>>) offsets(%arg7 : memref<80xi32, #tpu.memory_space<vmem>>) semaphore(%arg24 : memref<!tpu.dma_semaphore, #tpu.memory_space<semaphore_mem>>)
    %dma_start3A_77 = arith.constant 0 : i32
    %dma_start3A_78 = tpu.memref_slice %arg3[%add3A_73, %dma_start3A_77] : memref<320000x128xf32, #tpu.memory_space<hbm>> -> memref<80x128xf32, #tpu.memory_space<hbm>>
    %dma_start3A_79 = arith.constant 0 : i32
    %dma_start3A_80 = tpu.memref_slice %arg3[%add3A_73, %dma_start3A_79] : memref<320000x128xf32, #tpu.memory_space<hbm>> -> memref<80x128xf32, #tpu.memory_space<hbm>>
    tpu.enqueue_dma source(%dma_start3A_80 : memref<80x128xf32, #tpu.memory_space<hbm>>) target(%arg17 : memref<80x128xf32, #tpu.memory_space<vmem>>) target_semaphore(%arg26 : memref<!tpu.dma_semaphore, #tpu.memory_space<semaphore_mem>>)
    %barrier3A = arith.constant 0 : index
    tpu.barrier barrier_id(%barrier3A)
    %scan3A_81 = arith.constant 0 : i32
    %scan3A_82 = arith.constant 0 : i32
    %scan3A_83 = arith.constant 31 : i32
    %scan3A_84 = arith.addi %scan3A_82, %scan3A_83 : i32
    %scan3A_85 = arith.constant 1 : i32
    %scan3A_86 = scf.for %scan3A_135 = %scan3A_82 to %scan3A_84 step %scan3A_85 iter_args(%scan3A_136 = %scan3A_81) -> (i32)  : i32 {
      %mul3A_137 = arith.constant 4 : i32
      %mul3A_138 = arith.muli %mul3A_137, %scan3A_135 : i32
      %add3A_139 = arith.constant 0 : i32
      %add3A_140 = arith.addi %mul3A_138, %add3A_139 : i32
      %dma_wait3A_141 = arith.constant 0 : i32
      %dma_wait3A_142 = arith.constant 0 : i32
      %dma_wait3A_143 = tpu.memref_slice %arg2[%dma_wait3A_141, %dma_wait3A_142] : memref<10000x128xf32, #tpu.memory_space<hbm>> -> memref<80x128xf32, #tpu.memory_space<hbm>>
      %dma_wait3A_144 = arith.constant 0 : i32
      %dma_wait3A_145 = arith.constant 0 : i32
      %dma_wait3A_146 = tpu.memref_slice %arg2[%dma_wait3A_144, %dma_wait3A_145] : memref<10000x128xf32, #tpu.memory_space<hbm>> -> memref<80x128xf32, #tpu.memory_space<hbm>>
      tpu.wait_dma2 semaphore(%arg24 : memref<!tpu.dma_semaphore, #tpu.memory_space<semaphore_mem>>) src(%dma_wait3A_146 : memref<80x128xf32, #tpu.memory_space<hbm>>) dst(%arg15 : memref<80x128xf32, #tpu.memory_space<vmem>>)
      %dma_wait3A_147 = arith.constant 0 : i32
      %dma_wait3A_148 = arith.constant 0 : i32
      %dma_wait3A_149 = tpu.memref_slice %arg3[%dma_wait3A_147, %dma_wait3A_148] : memref<320000x128xf32, #tpu.memory_space<hbm>> -> memref<80x128xf32, #tpu.memory_space<hbm>>
      %dma_wait3A_150 = arith.constant 0 : i32
      %dma_wait3A_151 = arith.constant 0 : i32
      %dma_wait3A_152 = tpu.memref_slice %arg3[%dma_wait3A_150, %dma_wait3A_151] : memref<320000x128xf32, #tpu.memory_space<hbm>> -> memref<80x128xf32, #tpu.memory_space<hbm>>
      tpu.wait_dma2 semaphore(%arg26 : memref<!tpu.dma_semaphore, #tpu.memory_space<semaphore_mem>>) src(%dma_wait3A_152 : memref<80x128xf32, #tpu.memory_space<hbm>>) dst(%arg17 : memref<80x128xf32, #tpu.memory_space<vmem>>)
      %dma_start3A_153 = arith.constant 0 : i32
      %dma_start3A_154 = arith.constant 0 : i32
      %dma_start3A_155 = tpu.memref_slice %arg19[%dma_start3A_153, %dma_start3A_154] : memref<10240x128xf32, #tpu.memory_space<vmem_shared>> -> memref<10240x128xf32, #tpu.memory_space<vmem_shared>>
      tpu.enqueue_indirect_dma source(%arg15 : memref<80x128xf32, #tpu.memory_space<vmem>>) target(%dma_start3A_155 : memref<10240x128xf32, #tpu.memory_space<vmem_shared>>) offsets(%arg11 : memref<80xi32, #tpu.memory_space<vmem>>) semaphore(%arg28 : memref<!tpu.dma_semaphore, #tpu.memory_space<semaphore_mem>>) {add = true}
      %dma_start3A_156 = arith.constant 0 : i32
      %dma_start3A_157 = arith.constant 0 : i32
      %dma_start3A_158 = tpu.memref_slice %arg19[%dma_start3A_156, %dma_start3A_157] : memref<10240x128xf32, #tpu.memory_space<vmem_shared>> -> memref<10240x128xf32, #tpu.memory_space<vmem_shared>>
      tpu.enqueue_indirect_dma source(%arg17 : memref<80x128xf32, #tpu.memory_space<vmem>>) target(%dma_start3A_158 : memref<10240x128xf32, #tpu.memory_space<vmem_shared>>) offsets(%arg11 : memref<80xi32, #tpu.memory_space<vmem>>) semaphore(%arg28 : memref<!tpu.dma_semaphore, #tpu.memory_space<semaphore_mem>>) {add = true}
      %gt3A = arith.constant 0 : i32
      %gt3A_159 = arith.cmpi sgt, %scan3A_135, %gt3A : i32
      %convert_element_type3A = arith.extui %gt3A_159 : i1 to i32
      %cond3A = arith.constant 0 : i32
      %cond3A_160 = arith.cmpi ne, %convert_element_type3A, %cond3A : i32
      scf.if %cond3A_160 {
        %dma_wait3A_377 = arith.constant 0 : i32
        %dma_wait3A_378 = arith.constant 0 : i32
        %dma_wait3A_379 = tpu.memref_slice %arg19[%dma_wait3A_377, %dma_wait3A_378] : memref<10240x128xf32, #tpu.memory_space<vmem_shared>> -> memref<80x128xf32, #tpu.memory_space<vmem_shared>>
        %dma_wait3A_380 = arith.constant 0 : i32
        %dma_wait3A_381 = arith.constant 0 : i32
        %dma_wait3A_382 = tpu.memref_slice %arg19[%dma_wait3A_380, %dma_wait3A_381] : memref<10240x128xf32, #tpu.memory_space<vmem_shared>> -> memref<80x128xf32, #tpu.memory_space<vmem_shared>>
        tpu.wait_dma2 semaphore(%arg29 : memref<!tpu.dma_semaphore, #tpu.memory_space<semaphore_mem>>) src(%arg16 : memref<80x128xf32, #tpu.memory_space<vmem>>) dst(%dma_wait3A_382 : memref<80x128xf32, #tpu.memory_space<vmem_shared>>)
        %dma_wait3A_383 = arith.constant 0 : i32
        %dma_wait3A_384 = arith.constant 0 : i32
        %dma_wait3A_385 = tpu.memref_slice %arg19[%dma_wait3A_383, %dma_wait3A_384] : memref<10240x128xf32, #tpu.memory_space<vmem_shared>> -> memref<80x128xf32, #tpu.memory_space<vmem_shared>>
        %dma_wait3A_386 = arith.constant 0 : i32
        %dma_wait3A_387 = arith.constant 0 : i32
        %dma_wait3A_388 = tpu.memref_slice %arg19[%dma_wait3A_386, %dma_wait3A_387] : memref<10240x128xf32, #tpu.memory_space<vmem_shared>> -> memref<80x128xf32, #tpu.memory_space<vmem_shared>>
        tpu.wait_dma2 semaphore(%arg29 : memref<!tpu.dma_semaphore, #tpu.memory_space<semaphore_mem>>) src(%arg18 : memref<80x128xf32, #tpu.memory_space<vmem>>) dst(%dma_wait3A_388 : memref<80x128xf32, #tpu.memory_space<vmem_shared>>)
      } else {
      }
      %add3A_161 = arith.constant 3 : i32
      %add3A_162 = arith.addi %add3A_140, %add3A_161 : i32
      %mul3A_163 = arith.constant 10000 : i32
      %mul3A_164 = arith.muli %add3A, %mul3A_163 : i32
      %mul3A_165 = arith.constant 80 : i32
      %mul3A_166 = arith.muli %add3A_162, %mul3A_165 : i32
      %add3A_167 = arith.addi %mul3A_164, %mul3A_166 : i32
      %dma_start3A_168 = tpu.memref_slice %arg4[%add3A_167] : memref<320000xi32, #tpu.memory_space<hbm>> -> memref<80xi32, #tpu.memory_space<hbm>>
      %dma_start3A_169 = tpu.memref_slice %arg4[%add3A_167] : memref<320000xi32, #tpu.memory_space<hbm>> -> memref<80xi32, #tpu.memory_space<hbm>>
      tpu.enqueue_dma source(%dma_start3A_169 : memref<80xi32, #tpu.memory_space<hbm>>) target(%arg10 : memref<80xi32, #tpu.memory_space<vmem>>) target_semaphore(%arg23 : memref<!tpu.dma_semaphore, #tpu.memory_space<semaphore_mem>>)
      %dma_start3A_170 = tpu.memref_slice %arg5[%add3A_167] : memref<320000xi32, #tpu.memory_space<hbm>> -> memref<80xi32, #tpu.memory_space<hbm>>
      %dma_start3A_171 = tpu.memref_slice %arg5[%add3A_167] : memref<320000xi32, #tpu.memory_space<hbm>> -> memref<80xi32, #tpu.memory_space<hbm>>
      tpu.enqueue_dma source(%dma_start3A_171 : memref<80xi32, #tpu.memory_space<hbm>>) target(%arg14 : memref<80xi32, #tpu.memory_space<vmem>>) target_semaphore(%arg23 : memref<!tpu.dma_semaphore, #tpu.memory_space<semaphore_mem>>)
      %dma_wait3A_172 = arith.constant 0 : i32
      %dma_wait3A_173 = tpu.memref_slice %arg4[%dma_wait3A_172] : memref<320000xi32, #tpu.memory_space<hbm>> -> memref<80xi32, #tpu.memory_space<hbm>>
      %dma_wait3A_174 = arith.constant 0 : i32
      %dma_wait3A_175 = tpu.memref_slice %arg4[%dma_wait3A_174] : memref<320000xi32, #tpu.memory_space<hbm>> -> memref<80xi32, #tpu.memory_space<hbm>>
      tpu.wait_dma2 semaphore(%arg21 : memref<!tpu.dma_semaphore, #tpu.memory_space<semaphore_mem>>) src(%dma_wait3A_175 : memref<80xi32, #tpu.memory_space<hbm>>) dst(%arg8 : memref<80xi32, #tpu.memory_space<vmem>>)
      %dma_wait3A_176 = arith.constant 0 : i32
      %dma_wait3A_177 = tpu.memref_slice %arg5[%dma_wait3A_176] : memref<320000xi32, #tpu.memory_space<hbm>> -> memref<80xi32, #tpu.memory_space<hbm>>
      %dma_wait3A_178 = arith.constant 0 : i32
      %dma_wait3A_179 = tpu.memref_slice %arg5[%dma_wait3A_178] : memref<320000xi32, #tpu.memory_space<hbm>> -> memref<80xi32, #tpu.memory_space<hbm>>
      tpu.wait_dma2 semaphore(%arg21 : memref<!tpu.dma_semaphore, #tpu.memory_space<semaphore_mem>>) src(%dma_wait3A_179 : memref<80xi32, #tpu.memory_space<hbm>>) dst(%arg12 : memref<80xi32, #tpu.memory_space<vmem>>)
      %add3A_180 = arith.constant 1 : i32
      %add3A_181 = arith.addi %add3A_140, %add3A_180 : i32
      %mul3A_182 = arith.constant 10000 : i32
      %mul3A_183 = arith.muli %add3A, %mul3A_182 : i32
      %mul3A_184 = arith.constant 80 : i32
      %mul3A_185 = arith.muli %add3A_181, %mul3A_184 : i32
      %add3A_186 = arith.addi %mul3A_183, %mul3A_185 : i32
      %dma_start3A_187 = arith.constant 0 : i32
      %dma_start3A_188 = arith.constant 0 : i32
      %dma_start3A_189 = tpu.memref_slice %arg2[%dma_start3A_187, %dma_start3A_188] : memref<10000x128xf32, #tpu.memory_space<hbm>> -> memref<10000x128xf32, #tpu.memory_space<hbm>>
      tpu.enqueue_indirect_dma source(%dma_start3A_189 : memref<10000x128xf32, #tpu.memory_space<hbm>>) target(%arg16 : memref<80x128xf32, #tpu.memory_space<vmem>>) offsets(%arg8 : memref<80xi32, #tpu.memory_space<vmem>>) semaphore(%arg25 : memref<!tpu.dma_semaphore, #tpu.memory_space<semaphore_mem>>)
      %dma_start3A_190 = arith.constant 0 : i32
      %dma_start3A_191 = tpu.memref_slice %arg3[%add3A_186, %dma_start3A_190] : memref<320000x128xf32, #tpu.memory_space<hbm>> -> memref<80x128xf32, #tpu.memory_space<hbm>>
      %dma_start3A_192 = arith.constant 0 : i32
      %dma_start3A_193 = tpu.memref_slice %arg3[%add3A_186, %dma_start3A_192] : memref<320000x128xf32, #tpu.memory_space<hbm>> -> memref<80x128xf32, #tpu.memory_space<hbm>>
      tpu.enqueue_dma source(%dma_start3A_193 : memref<80x128xf32, #tpu.memory_space<hbm>>) target(%arg18 : memref<80x128xf32, #tpu.memory_space<vmem>>) target_semaphore(%arg27 : memref<!tpu.dma_semaphore, #tpu.memory_space<semaphore_mem>>)
      %add3A_194 = arith.constant 1 : i32
      %add3A_195 = arith.addi %mul3A_138, %add3A_194 : i32
      %dma_wait3A_196 = arith.constant 0 : i32
      %dma_wait3A_197 = arith.constant 0 : i32
      %dma_wait3A_198 = tpu.memref_slice %arg2[%dma_wait3A_196, %dma_wait3A_197] : memref<10000x128xf32, #tpu.memory_space<hbm>> -> memref<80x128xf32, #tpu.memory_space<hbm>>
      %dma_wait3A_199 = arith.constant 0 : i32
      %dma_wait3A_200 = arith.constant 0 : i32
      %dma_wait3A_201 = tpu.memref_slice %arg2[%dma_wait3A_199, %dma_wait3A_200] : memref<10000x128xf32, #tpu.memory_space<hbm>> -> memref<80x128xf32, #tpu.memory_space<hbm>>
      tpu.wait_dma2 semaphore(%arg25 : memref<!tpu.dma_semaphore, #tpu.memory_space<semaphore_mem>>) src(%dma_wait3A_201 : memref<80x128xf32, #tpu.memory_space<hbm>>) dst(%arg16 : memref<80x128xf32, #tpu.memory_space<vmem>>)
      %dma_wait3A_202 = arith.constant 0 : i32
      %dma_wait3A_203 = arith.constant 0 : i32
      %dma_wait3A_204 = tpu.memref_slice %arg3[%dma_wait3A_202, %dma_wait3A_203] : memref<320000x128xf32, #tpu.memory_space<hbm>> -> memref<80x128xf32, #tpu.memory_space<hbm>>
      %dma_wait3A_205 = arith.constant 0 : i32
      %dma_wait3A_206 = arith.constant 0 : i32
      %dma_wait3A_207 = tpu.memref_slice %arg3[%dma_wait3A_205, %dma_wait3A_206] : memref<320000x128xf32, #tpu.memory_space<hbm>> -> memref<80x128xf32, #tpu.memory_space<hbm>>
      tpu.wait_dma2 semaphore(%arg27 : memref<!tpu.dma_semaphore, #tpu.memory_space<semaphore_mem>>) src(%dma_wait3A_207 : memref<80x128xf32, #tpu.memory_space<hbm>>) dst(%arg18 : memref<80x128xf32, #tpu.memory_space<vmem>>)
      %dma_start3A_208 = arith.constant 0 : i32
      %dma_start3A_209 = arith.constant 0 : i32
      %dma_start3A_210 = tpu.memref_slice %arg19[%dma_start3A_208, %dma_start3A_209] : memref<10240x128xf32, #tpu.memory_space<vmem_shared>> -> memref<10240x128xf32, #tpu.memory_space<vmem_shared>>
      tpu.enqueue_indirect_dma source(%arg16 : memref<80x128xf32, #tpu.memory_space<vmem>>) target(%dma_start3A_210 : memref<10240x128xf32, #tpu.memory_space<vmem_shared>>) offsets(%arg12 : memref<80xi32, #tpu.memory_space<vmem>>) semaphore(%arg29 : memref<!tpu.dma_semaphore, #tpu.memory_space<semaphore_mem>>) {add = true}
      %dma_start3A_211 = arith.constant 0 : i32
      %dma_start3A_212 = arith.constant 0 : i32
      %dma_start3A_213 = tpu.memref_slice %arg19[%dma_start3A_211, %dma_start3A_212] : memref<10240x128xf32, #tpu.memory_space<vmem_shared>> -> memref<10240x128xf32, #tpu.memory_space<vmem_shared>>
      tpu.enqueue_indirect_dma source(%arg18 : memref<80x128xf32, #tpu.memory_space<vmem>>) target(%dma_start3A_213 : memref<10240x128xf32, #tpu.memory_space<vmem_shared>>) offsets(%arg12 : memref<80xi32, #tpu.memory_space<vmem>>) semaphore(%arg29 : memref<!tpu.dma_semaphore, #tpu.memory_space<semaphore_mem>>) {add = true}
      %dma_wait3A_214 = arith.constant 0 : i32
      %dma_wait3A_215 = arith.constant 0 : i32
      %dma_wait3A_216 = tpu.memref_slice %arg19[%dma_wait3A_214, %dma_wait3A_215] : memref<10240x128xf32, #tpu.memory_space<vmem_shared>> -> memref<80x128xf32, #tpu.memory_space<vmem_shared>>
      %dma_wait3A_217 = arith.constant 0 : i32
      %dma_wait3A_218 = arith.constant 0 : i32
      %dma_wait3A_219 = tpu.memref_slice %arg19[%dma_wait3A_217, %dma_wait3A_218] : memref<10240x128xf32, #tpu.memory_space<vmem_shared>> -> memref<80x128xf32, #tpu.memory_space<vmem_shared>>
      tpu.wait_dma2 semaphore(%arg28 : memref<!tpu.dma_semaphore, #tpu.memory_space<semaphore_mem>>) src(%arg15 : memref<80x128xf32, #tpu.memory_space<vmem>>) dst(%dma_wait3A_219 : memref<80x128xf32, #tpu.memory_space<vmem_shared>>)
      %dma_wait3A_220 = arith.constant 0 : i32
      %dma_wait3A_221 = arith.constant 0 : i32
      %dma_wait3A_222 = tpu.memref_slice %arg19[%dma_wait3A_220, %dma_wait3A_221] : memref<10240x128xf32, #tpu.memory_space<vmem_shared>> -> memref<80x128xf32, #tpu.memory_space<vmem_shared>>
      %dma_wait3A_223 = arith.constant 0 : i32
      %dma_wait3A_224 = arith.constant 0 : i32
      %dma_wait3A_225 = tpu.memref_slice %arg19[%dma_wait3A_223, %dma_wait3A_224] : memref<10240x128xf32, #tpu.memory_space<vmem_shared>> -> memref<80x128xf32, #tpu.memory_space<vmem_shared>>
      tpu.wait_dma2 semaphore(%arg28 : memref<!tpu.dma_semaphore, #tpu.memory_space<semaphore_mem>>) src(%arg17 : memref<80x128xf32, #tpu.memory_space<vmem>>) dst(%dma_wait3A_225 : memref<80x128xf32, #tpu.memory_space<vmem_shared>>)
      %add3A_226 = arith.constant 3 : i32
      %add3A_227 = arith.addi %add3A_195, %add3A_226 : i32
      %mul3A_228 = arith.constant 10000 : i32
      %mul3A_229 = arith.muli %add3A, %mul3A_228 : i32
      %mul3A_230 = arith.constant 80 : i32
      %mul3A_231 = arith.muli %add3A_227, %mul3A_230 : i32
      %add3A_232 = arith.addi %mul3A_229, %mul3A_231 : i32
      %dma_start3A_233 = tpu.memref_slice %arg4[%add3A_232] : memref<320000xi32, #tpu.memory_space<hbm>> -> memref<80xi32, #tpu.memory_space<hbm>>
      %dma_start3A_234 = tpu.memref_slice %arg4[%add3A_232] : memref<320000xi32, #tpu.memory_space<hbm>> -> memref<80xi32, #tpu.memory_space<hbm>>
      tpu.enqueue_dma source(%dma_start3A_234 : memref<80xi32, #tpu.memory_space<hbm>>) target(%arg7 : memref<80xi32, #tpu.memory_space<vmem>>) target_semaphore(%arg20 : memref<!tpu.dma_semaphore, #tpu.memory_space<semaphore_mem>>)
      %dma_start3A_235 = tpu.memref_slice %arg5[%add3A_232] : memref<320000xi32, #tpu.memory_space<hbm>> -> memref<80xi32, #tpu.memory_space<hbm>>
      %dma_start3A_236 = tpu.memref_slice %arg5[%add3A_232] : memref<320000xi32, #tpu.memory_space<hbm>> -> memref<80xi32, #tpu.memory_space<hbm>>
      tpu.enqueue_dma source(%dma_start3A_236 : memref<80xi32, #tpu.memory_space<hbm>>) target(%arg11 : memref<80xi32, #tpu.memory_space<vmem>>) target_semaphore(%arg20 : memref<!tpu.dma_semaphore, #tpu.memory_space<semaphore_mem>>)
      %dma_wait3A_237 = arith.constant 0 : i32
      %dma_wait3A_238 = tpu.memref_slice %arg4[%dma_wait3A_237] : memref<320000xi32, #tpu.memory_space<hbm>> -> memref<80xi32, #tpu.memory_space<hbm>>
      %dma_wait3A_239 = arith.constant 0 : i32
      %dma_wait3A_240 = tpu.memref_slice %arg4[%dma_wait3A_239] : memref<320000xi32, #tpu.memory_space<hbm>> -> memref<80xi32, #tpu.memory_space<hbm>>
      tpu.wait_dma2 semaphore(%arg22 : memref<!tpu.dma_semaphore, #tpu.memory_space<semaphore_mem>>) src(%dma_wait3A_240 : memref<80xi32, #tpu.memory_space<hbm>>) dst(%arg9 : memref<80xi32, #tpu.memory_space<vmem>>)
      %dma_wait3A_241 = arith.constant 0 : i32
      %dma_wait3A_242 = tpu.memref_slice %arg5[%dma_wait3A_241] : memref<320000xi32, #tpu.memory_space<hbm>> -> memref<80xi32, #tpu.memory_space<hbm>>
      %dma_wait3A_243 = arith.constant 0 : i32
      %dma_wait3A_244 = tpu.memref_slice %arg5[%dma_wait3A_243] : memref<320000xi32, #tpu.memory_space<hbm>> -> memref<80xi32, #tpu.memory_space<hbm>>
      tpu.wait_dma2 semaphore(%arg22 : memref<!tpu.dma_semaphore, #tpu.memory_space<semaphore_mem>>) src(%dma_wait3A_244 : memref<80xi32, #tpu.memory_space<hbm>>) dst(%arg13 : memref<80xi32, #tpu.memory_space<vmem>>)
      %add3A_245 = arith.constant 1 : i32
      %add3A_246 = arith.addi %add3A_195, %add3A_245 : i32
      %mul3A_247 = arith.constant 10000 : i32
      %mul3A_248 = arith.muli %add3A, %mul3A_247 : i32
      %mul3A_249 = arith.constant 80 : i32
      %mul3A_250 = arith.muli %add3A_246, %mul3A_249 : i32
      %add3A_251 = arith.addi %mul3A_248, %mul3A_250 : i32
      %dma_start3A_252 = arith.constant 0 : i32
      %dma_start3A_253 = arith.constant 0 : i32
      %dma_start3A_254 = tpu.memref_slice %arg2[%dma_start3A_252, %dma_start3A_253] : memref<10000x128xf32, #tpu.memory_space<hbm>> -> memref<10000x128xf32, #tpu.memory_space<hbm>>
      tpu.enqueue_indirect_dma source(%dma_start3A_254 : memref<10000x128xf32, #tpu.memory_space<hbm>>) target(%arg15 : memref<80x128xf32, #tpu.memory_space<vmem>>) offsets(%arg9 : memref<80xi32, #tpu.memory_space<vmem>>) semaphore(%arg24 : memref<!tpu.dma_semaphore, #tpu.memory_space<semaphore_mem>>)
      %dma_start3A_255 = arith.constant 0 : i32
      %dma_start3A_256 = tpu.memref_slice %arg3[%add3A_251, %dma_start3A_255] : memref<320000x128xf32, #tpu.memory_space<hbm>> -> memref<80x128xf32, #tpu.memory_space<hbm>>
      %dma_start3A_257 = arith.constant 0 : i32
      %dma_start3A_258 = tpu.memref_slice %arg3[%add3A_251, %dma_start3A_257] : memref<320000x128xf32, #tpu.memory_space<hbm>> -> memref<80x128xf32, #tpu.memory_space<hbm>>
      tpu.enqueue_dma source(%dma_start3A_258 : memref<80x128xf32, #tpu.memory_space<hbm>>) target(%arg17 : memref<80x128xf32, #tpu.memory_space<vmem>>) target_semaphore(%arg26 : memref<!tpu.dma_semaphore, #tpu.memory_space<semaphore_mem>>)
      %add3A_259 = arith.constant 2 : i32
      %add3A_260 = arith.addi %mul3A_138, %add3A_259 : i32
      %dma_wait3A_261 = arith.constant 0 : i32
      %dma_wait3A_262 = arith.constant 0 : i32
      %dma_wait3A_263 = tpu.memref_slice %arg2[%dma_wait3A_261, %dma_wait3A_262] : memref<10000x128xf32, #tpu.memory_space<hbm>> -> memref<80x128xf32, #tpu.memory_space<hbm>>
      %dma_wait3A_264 = arith.constant 0 : i32
      %dma_wait3A_265 = arith.constant 0 : i32
      %dma_wait3A_266 = tpu.memref_slice %arg2[%dma_wait3A_264, %dma_wait3A_265] : memref<10000x128xf32, #tpu.memory_space<hbm>> -> memref<80x128xf32, #tpu.memory_space<hbm>>
      tpu.wait_dma2 semaphore(%arg24 : memref<!tpu.dma_semaphore, #tpu.memory_space<semaphore_mem>>) src(%dma_wait3A_266 : memref<80x128xf32, #tpu.memory_space<hbm>>) dst(%arg15 : memref<80x128xf32, #tpu.memory_space<vmem>>)
      %dma_wait3A_267 = arith.constant 0 : i32
      %dma_wait3A_268 = arith.constant 0 : i32
      %dma_wait3A_269 = tpu.memref_slice %arg3[%dma_wait3A_267, %dma_wait3A_268] : memref<320000x128xf32, #tpu.memory_space<hbm>> -> memref<80x128xf32, #tpu.memory_space<hbm>>
      %dma_wait3A_270 = arith.constant 0 : i32
      %dma_wait3A_271 = arith.constant 0 : i32
      %dma_wait3A_272 = tpu.memref_slice %arg3[%dma_wait3A_270, %dma_wait3A_271] : memref<320000x128xf32, #tpu.memory_space<hbm>> -> memref<80x128xf32, #tpu.memory_space<hbm>>
      tpu.wait_dma2 semaphore(%arg26 : memref<!tpu.dma_semaphore, #tpu.memory_space<semaphore_mem>>) src(%dma_wait3A_272 : memref<80x128xf32, #tpu.memory_space<hbm>>) dst(%arg17 : memref<80x128xf32, #tpu.memory_space<vmem>>)
      %dma_start3A_273 = arith.constant 0 : i32
      %dma_start3A_274 = arith.constant 0 : i32
      %dma_start3A_275 = tpu.memref_slice %arg19[%dma_start3A_273, %dma_start3A_274] : memref<10240x128xf32, #tpu.memory_space<vmem_shared>> -> memref<10240x128xf32, #tpu.memory_space<vmem_shared>>
      tpu.enqueue_indirect_dma source(%arg15 : memref<80x128xf32, #tpu.memory_space<vmem>>) target(%dma_start3A_275 : memref<10240x128xf32, #tpu.memory_space<vmem_shared>>) offsets(%arg13 : memref<80xi32, #tpu.memory_space<vmem>>) semaphore(%arg28 : memref<!tpu.dma_semaphore, #tpu.memory_space<semaphore_mem>>) {add = true}
      %dma_start3A_276 = arith.constant 0 : i32
      %dma_start3A_277 = arith.constant 0 : i32
      %dma_start3A_278 = tpu.memref_slice %arg19[%dma_start3A_276, %dma_start3A_277] : memref<10240x128xf32, #tpu.memory_space<vmem_shared>> -> memref<10240x128xf32, #tpu.memory_space<vmem_shared>>
      tpu.enqueue_indirect_dma source(%arg17 : memref<80x128xf32, #tpu.memory_space<vmem>>) target(%dma_start3A_278 : memref<10240x128xf32, #tpu.memory_space<vmem_shared>>) offsets(%arg13 : memref<80xi32, #tpu.memory_space<vmem>>) semaphore(%arg28 : memref<!tpu.dma_semaphore, #tpu.memory_space<semaphore_mem>>) {add = true}
      %dma_wait3A_279 = arith.constant 0 : i32
      %dma_wait3A_280 = arith.constant 0 : i32
      %dma_wait3A_281 = tpu.memref_slice %arg19[%dma_wait3A_279, %dma_wait3A_280] : memref<10240x128xf32, #tpu.memory_space<vmem_shared>> -> memref<80x128xf32, #tpu.memory_space<vmem_shared>>
      %dma_wait3A_282 = arith.constant 0 : i32
      %dma_wait3A_283 = arith.constant 0 : i32
      %dma_wait3A_284 = tpu.memref_slice %arg19[%dma_wait3A_282, %dma_wait3A_283] : memref<10240x128xf32, #tpu.memory_space<vmem_shared>> -> memref<80x128xf32, #tpu.memory_space<vmem_shared>>
      tpu.wait_dma2 semaphore(%arg29 : memref<!tpu.dma_semaphore, #tpu.memory_space<semaphore_mem>>) src(%arg16 : memref<80x128xf32, #tpu.memory_space<vmem>>) dst(%dma_wait3A_284 : memref<80x128xf32, #tpu.memory_space<vmem_shared>>)
      %dma_wait3A_285 = arith.constant 0 : i32
      %dma_wait3A_286 = arith.constant 0 : i32
      %dma_wait3A_287 = tpu.memref_slice %arg19[%dma_wait3A_285, %dma_wait3A_286] : memref<10240x128xf32, #tpu.memory_space<vmem_shared>> -> memref<80x128xf32, #tpu.memory_space<vmem_shared>>
      %dma_wait3A_288 = arith.constant 0 : i32
      %dma_wait3A_289 = arith.constant 0 : i32
      %dma_wait3A_290 = tpu.memref_slice %arg19[%dma_wait3A_288, %dma_wait3A_289] : memref<10240x128xf32, #tpu.memory_space<vmem_shared>> -> memref<80x128xf32, #tpu.memory_space<vmem_shared>>
      tpu.wait_dma2 semaphore(%arg29 : memref<!tpu.dma_semaphore, #tpu.memory_space<semaphore_mem>>) src(%arg18 : memref<80x128xf32, #tpu.memory_space<vmem>>) dst(%dma_wait3A_290 : memref<80x128xf32, #tpu.memory_space<vmem_shared>>)
      %lt3A = arith.constant 30 : i32
      %lt3A_291 = arith.cmpi slt, %scan3A_135, %lt3A : i32
      %convert_element_type3A_292 = arith.extui %lt3A_291 : i1 to i32
      %cond3A_293 = arith.constant 0 : i32
      %cond3A_294 = arith.cmpi ne, %convert_element_type3A_292, %cond3A_293 : i32
      scf.if %cond3A_294 {
        %add3A_377 = arith.constant 3 : i32
        %add3A_378 = arith.addi %add3A_260, %add3A_377 : i32
        %mul3A_379 = arith.constant 10000 : i32
        %mul3A_380 = arith.muli %add3A, %mul3A_379 : i32
        %mul3A_381 = arith.constant 80 : i32
        %mul3A_382 = arith.muli %add3A_378, %mul3A_381 : i32
        %add3A_383 = arith.addi %mul3A_380, %mul3A_382 : i32
        %dma_start3A_384 = tpu.memref_slice %arg4[%add3A_383] : memref<320000xi32, #tpu.memory_space<hbm>> -> memref<80xi32, #tpu.memory_space<hbm>>
        %dma_start3A_385 = tpu.memref_slice %arg4[%add3A_383] : memref<320000xi32, #tpu.memory_space<hbm>> -> memref<80xi32, #tpu.memory_space<hbm>>
        tpu.enqueue_dma source(%dma_start3A_385 : memref<80xi32, #tpu.memory_space<hbm>>) target(%arg8 : memref<80xi32, #tpu.memory_space<vmem>>) target_semaphore(%arg21 : memref<!tpu.dma_semaphore, #tpu.memory_space<semaphore_mem>>)
        %dma_start3A_386 = tpu.memref_slice %arg5[%add3A_383] : memref<320000xi32, #tpu.memory_space<hbm>> -> memref<80xi32, #tpu.memory_space<hbm>>
        %dma_start3A_387 = tpu.memref_slice %arg5[%add3A_383] : memref<320000xi32, #tpu.memory_space<hbm>> -> memref<80xi32, #tpu.memory_space<hbm>>
        tpu.enqueue_dma source(%dma_start3A_387 : memref<80xi32, #tpu.memory_space<hbm>>) target(%arg12 : memref<80xi32, #tpu.memory_space<vmem>>) target_semaphore(%arg21 : memref<!tpu.dma_semaphore, #tpu.memory_space<semaphore_mem>>)
      } else {
      }
      %dma_wait3A_295 = arith.constant 0 : i32
      %dma_wait3A_296 = tpu.memref_slice %arg4[%dma_wait3A_295] : memref<320000xi32, #tpu.memory_space<hbm>> -> memref<80xi32, #tpu.memory_space<hbm>>
      %dma_wait3A_297 = arith.constant 0 : i32
      %dma_wait3A_298 = tpu.memref_slice %arg4[%dma_wait3A_297] : memref<320000xi32, #tpu.memory_space<hbm>> -> memref<80xi32, #tpu.memory_space<hbm>>
      tpu.wait_dma2 semaphore(%arg23 : memref<!tpu.dma_semaphore, #tpu.memory_space<semaphore_mem>>) src(%dma_wait3A_298 : memref<80xi32, #tpu.memory_space<hbm>>) dst(%arg10 : memref<80xi32, #tpu.memory_space<vmem>>)
      %dma_wait3A_299 = arith.constant 0 : i32
      %dma_wait3A_300 = tpu.memref_slice %arg5[%dma_wait3A_299] : memref<320000xi32, #tpu.memory_space<hbm>> -> memref<80xi32, #tpu.memory_space<hbm>>
      %dma_wait3A_301 = arith.constant 0 : i32
      %dma_wait3A_302 = tpu.memref_slice %arg5[%dma_wait3A_301] : memref<320000xi32, #tpu.memory_space<hbm>> -> memref<80xi32, #tpu.memory_space<hbm>>
      tpu.wait_dma2 semaphore(%arg23 : memref<!tpu.dma_semaphore, #tpu.memory_space<semaphore_mem>>) src(%dma_wait3A_302 : memref<80xi32, #tpu.memory_space<hbm>>) dst(%arg14 : memref<80xi32, #tpu.memory_space<vmem>>)
      %add3A_303 = arith.constant 1 : i32
      %add3A_304 = arith.addi %add3A_260, %add3A_303 : i32
      %mul3A_305 = arith.constant 10000 : i32
      %mul3A_306 = arith.muli %add3A, %mul3A_305 : i32
      %mul3A_307 = arith.constant 80 : i32
      %mul3A_308 = arith.muli %add3A_304, %mul3A_307 : i32
      %add3A_309 = arith.addi %mul3A_306, %mul3A_308 : i32
      %dma_start3A_310 = arith.constant 0 : i32
      %dma_start3A_311 = arith.constant 0 : i32
      %dma_start3A_312 = tpu.memref_slice %arg2[%dma_start3A_310, %dma_start3A_311] : memref<10000x128xf32, #tpu.memory_space<hbm>> -> memref<10000x128xf32, #tpu.memory_space<hbm>>
      tpu.enqueue_indirect_dma source(%dma_start3A_312 : memref<10000x128xf32, #tpu.memory_space<hbm>>) target(%arg16 : memref<80x128xf32, #tpu.memory_space<vmem>>) offsets(%arg10 : memref<80xi32, #tpu.memory_space<vmem>>) semaphore(%arg25 : memref<!tpu.dma_semaphore, #tpu.memory_space<semaphore_mem>>)
      %dma_start3A_313 = arith.constant 0 : i32
      %dma_start3A_314 = tpu.memref_slice %arg3[%add3A_309, %dma_start3A_313] : memref<320000x128xf32, #tpu.memory_space<hbm>> -> memref<80x128xf32, #tpu.memory_space<hbm>>
      %dma_start3A_315 = arith.constant 0 : i32
      %dma_start3A_316 = tpu.memref_slice %arg3[%add3A_309, %dma_start3A_315] : memref<320000x128xf32, #tpu.memory_space<hbm>> -> memref<80x128xf32, #tpu.memory_space<hbm>>
      tpu.enqueue_dma source(%dma_start3A_316 : memref<80x128xf32, #tpu.memory_space<hbm>>) target(%arg18 : memref<80x128xf32, #tpu.memory_space<vmem>>) target_semaphore(%arg27 : memref<!tpu.dma_semaphore, #tpu.memory_space<semaphore_mem>>)
      %add3A_317 = arith.constant 3 : i32
      %add3A_318 = arith.addi %mul3A_138, %add3A_317 : i32
      %dma_wait3A_319 = arith.constant 0 : i32
      %dma_wait3A_320 = arith.constant 0 : i32
      %dma_wait3A_321 = tpu.memref_slice %arg2[%dma_wait3A_319, %dma_wait3A_320] : memref<10000x128xf32, #tpu.memory_space<hbm>> -> memref<80x128xf32, #tpu.memory_space<hbm>>
      %dma_wait3A_322 = arith.constant 0 : i32
      %dma_wait3A_323 = arith.constant 0 : i32
      %dma_wait3A_324 = tpu.memref_slice %arg2[%dma_wait3A_322, %dma_wait3A_323] : memref<10000x128xf32, #tpu.memory_space<hbm>> -> memref<80x128xf32, #tpu.memory_space<hbm>>
      tpu.wait_dma2 semaphore(%arg25 : memref<!tpu.dma_semaphore, #tpu.memory_space<semaphore_mem>>) src(%dma_wait3A_324 : memref<80x128xf32, #tpu.memory_space<hbm>>) dst(%arg16 : memref<80x128xf32, #tpu.memory_space<vmem>>)
      %dma_wait3A_325 = arith.constant 0 : i32
      %dma_wait3A_326 = arith.constant 0 : i32
      %dma_wait3A_327 = tpu.memref_slice %arg3[%dma_wait3A_325, %dma_wait3A_326] : memref<320000x128xf32, #tpu.memory_space<hbm>> -> memref<80x128xf32, #tpu.memory_space<hbm>>
      %dma_wait3A_328 = arith.constant 0 : i32
      %dma_wait3A_329 = arith.constant 0 : i32
      %dma_wait3A_330 = tpu.memref_slice %arg3[%dma_wait3A_328, %dma_wait3A_329] : memref<320000x128xf32, #tpu.memory_space<hbm>> -> memref<80x128xf32, #tpu.memory_space<hbm>>
      tpu.wait_dma2 semaphore(%arg27 : memref<!tpu.dma_semaphore, #tpu.memory_space<semaphore_mem>>) src(%dma_wait3A_330 : memref<80x128xf32, #tpu.memory_space<hbm>>) dst(%arg18 : memref<80x128xf32, #tpu.memory_space<vmem>>)
      %dma_start3A_331 = arith.constant 0 : i32
      %dma_start3A_332 = arith.constant 0 : i32
      %dma_start3A_333 = tpu.memref_slice %arg19[%dma_start3A_331, %dma_start3A_332] : memref<10240x128xf32, #tpu.memory_space<vmem_shared>> -> memref<10240x128xf32, #tpu.memory_space<vmem_shared>>
      tpu.enqueue_indirect_dma source(%arg16 : memref<80x128xf32, #tpu.memory_space<vmem>>) target(%dma_start3A_333 : memref<10240x128xf32, #tpu.memory_space<vmem_shared>>) offsets(%arg14 : memref<80xi32, #tpu.memory_space<vmem>>) semaphore(%arg29 : memref<!tpu.dma_semaphore, #tpu.memory_space<semaphore_mem>>) {add = true}
      %dma_start3A_334 = arith.constant 0 : i32
      %dma_start3A_335 = arith.constant 0 : i32
      %dma_start3A_336 = tpu.memref_slice %arg19[%dma_start3A_334, %dma_start3A_335] : memref<10240x128xf32, #tpu.memory_space<vmem_shared>> -> memref<10240x128xf32, #tpu.memory_space<vmem_shared>>
      tpu.enqueue_indirect_dma source(%arg18 : memref<80x128xf32, #tpu.memory_space<vmem>>) target(%dma_start3A_336 : memref<10240x128xf32, #tpu.memory_space<vmem_shared>>) offsets(%arg14 : memref<80xi32, #tpu.memory_space<vmem>>) semaphore(%arg29 : memref<!tpu.dma_semaphore, #tpu.memory_space<semaphore_mem>>) {add = true}
      %dma_wait3A_337 = arith.constant 0 : i32
      %dma_wait3A_338 = arith.constant 0 : i32
      %dma_wait3A_339 = tpu.memref_slice %arg19[%dma_wait3A_337, %dma_wait3A_338] : memref<10240x128xf32, #tpu.memory_space<vmem_shared>> -> memref<80x128xf32, #tpu.memory_space<vmem_shared>>
      %dma_wait3A_340 = arith.constant 0 : i32
      %dma_wait3A_341 = arith.constant 0 : i32
      %dma_wait3A_342 = tpu.memref_slice %arg19[%dma_wait3A_340, %dma_wait3A_341] : memref<10240x128xf32, #tpu.memory_space<vmem_shared>> -> memref<80x128xf32, #tpu.memory_space<vmem_shared>>
      tpu.wait_dma2 semaphore(%arg28 : memref<!tpu.dma_semaphore, #tpu.memory_space<semaphore_mem>>) src(%arg15 : memref<80x128xf32, #tpu.memory_space<vmem>>) dst(%dma_wait3A_342 : memref<80x128xf32, #tpu.memory_space<vmem_shared>>)
      %dma_wait3A_343 = arith.constant 0 : i32
      %dma_wait3A_344 = arith.constant 0 : i32
      %dma_wait3A_345 = tpu.memref_slice %arg19[%dma_wait3A_343, %dma_wait3A_344] : memref<10240x128xf32, #tpu.memory_space<vmem_shared>> -> memref<80x128xf32, #tpu.memory_space<vmem_shared>>
      %dma_wait3A_346 = arith.constant 0 : i32
      %dma_wait3A_347 = arith.constant 0 : i32
      %dma_wait3A_348 = tpu.memref_slice %arg19[%dma_wait3A_346, %dma_wait3A_347] : memref<10240x128xf32, #tpu.memory_space<vmem_shared>> -> memref<80x128xf32, #tpu.memory_space<vmem_shared>>
      tpu.wait_dma2 semaphore(%arg28 : memref<!tpu.dma_semaphore, #tpu.memory_space<semaphore_mem>>) src(%arg17 : memref<80x128xf32, #tpu.memory_space<vmem>>) dst(%dma_wait3A_348 : memref<80x128xf32, #tpu.memory_space<vmem_shared>>)
      %lt3A_349 = arith.constant 30 : i32
      %lt3A_350 = arith.cmpi slt, %scan3A_135, %lt3A_349 : i32
      %convert_element_type3A_351 = arith.extui %lt3A_350 : i1 to i32
      %cond3A_352 = arith.constant 0 : i32
      %cond3A_353 = arith.cmpi ne, %convert_element_type3A_351, %cond3A_352 : i32
      scf.if %cond3A_353 {
        %add3A_377 = arith.constant 3 : i32
        %add3A_378 = arith.addi %add3A_318, %add3A_377 : i32
        %mul3A_379 = arith.constant 10000 : i32
        %mul3A_380 = arith.muli %add3A, %mul3A_379 : i32
        %mul3A_381 = arith.constant 80 : i32
        %mul3A_382 = arith.muli %add3A_378, %mul3A_381 : i32
        %add3A_383 = arith.addi %mul3A_380, %mul3A_382 : i32
        %dma_start3A_384 = tpu.memref_slice %arg4[%add3A_383] : memref<320000xi32, #tpu.memory_space<hbm>> -> memref<80xi32, #tpu.memory_space<hbm>>
        %dma_start3A_385 = tpu.memref_slice %arg4[%add3A_383] : memref<320000xi32, #tpu.memory_space<hbm>> -> memref<80xi32, #tpu.memory_space<hbm>>
        tpu.enqueue_dma source(%dma_start3A_385 : memref<80xi32, #tpu.memory_space<hbm>>) target(%arg9 : memref<80xi32, #tpu.memory_space<vmem>>) target_semaphore(%arg22 : memref<!tpu.dma_semaphore, #tpu.memory_space<semaphore_mem>>)
        %dma_start3A_386 = tpu.memref_slice %arg5[%add3A_383] : memref<320000xi32, #tpu.memory_space<hbm>> -> memref<80xi32, #tpu.memory_space<hbm>>
        %dma_start3A_387 = tpu.memref_slice %arg5[%add3A_383] : memref<320000xi32, #tpu.memory_space<hbm>> -> memref<80xi32, #tpu.memory_space<hbm>>
        tpu.enqueue_dma source(%dma_start3A_387 : memref<80xi32, #tpu.memory_space<hbm>>) target(%arg13 : memref<80xi32, #tpu.memory_space<vmem>>) target_semaphore(%arg22 : memref<!tpu.dma_semaphore, #tpu.memory_space<semaphore_mem>>)
      } else {
      }
      %dma_wait3A_354 = arith.constant 0 : i32
      %dma_wait3A_355 = tpu.memref_slice %arg4[%dma_wait3A_354] : memref<320000xi32, #tpu.memory_space<hbm>> -> memref<80xi32, #tpu.memory_space<hbm>>
      %dma_wait3A_356 = arith.constant 0 : i32
      %dma_wait3A_357 = tpu.memref_slice %arg4[%dma_wait3A_356] : memref<320000xi32, #tpu.memory_space<hbm>> -> memref<80xi32, #tpu.memory_space<hbm>>
      tpu.wait_dma2 semaphore(%arg20 : memref<!tpu.dma_semaphore, #tpu.memory_space<semaphore_mem>>) src(%dma_wait3A_357 : memref<80xi32, #tpu.memory_space<hbm>>) dst(%arg7 : memref<80xi32, #tpu.memory_space<vmem>>)
      %dma_wait3A_358 = arith.constant 0 : i32
      %dma_wait3A_359 = tpu.memref_slice %arg5[%dma_wait3A_358] : memref<320000xi32, #tpu.memory_space<hbm>> -> memref<80xi32, #tpu.memory_space<hbm>>
      %dma_wait3A_360 = arith.constant 0 : i32
      %dma_wait3A_361 = tpu.memref_slice %arg5[%dma_wait3A_360] : memref<320000xi32, #tpu.memory_space<hbm>> -> memref<80xi32, #tpu.memory_space<hbm>>
      tpu.wait_dma2 semaphore(%arg20 : memref<!tpu.dma_semaphore, #tpu.memory_space<semaphore_mem>>) src(%dma_wait3A_361 : memref<80xi32, #tpu.memory_space<hbm>>) dst(%arg11 : memref<80xi32, #tpu.memory_space<vmem>>)
      %add3A_362 = arith.constant 1 : i32
      %add3A_363 = arith.addi %add3A_318, %add3A_362 : i32
      %mul3A_364 = arith.constant 10000 : i32
      %mul3A_365 = arith.muli %add3A, %mul3A_364 : i32
      %mul3A_366 = arith.constant 80 : i32
      %mul3A_367 = arith.muli %add3A_363, %mul3A_366 : i32
      %add3A_368 = arith.addi %mul3A_365, %mul3A_367 : i32
      %dma_start3A_369 = arith.constant 0 : i32
      %dma_start3A_370 = arith.constant 0 : i32
      %dma_start3A_371 = tpu.memref_slice %arg2[%dma_start3A_369, %dma_start3A_370] : memref<10000x128xf32, #tpu.memory_space<hbm>> -> memref<10000x128xf32, #tpu.memory_space<hbm>>
      tpu.enqueue_indirect_dma source(%dma_start3A_371 : memref<10000x128xf32, #tpu.memory_space<hbm>>) target(%arg15 : memref<80x128xf32, #tpu.memory_space<vmem>>) offsets(%arg7 : memref<80xi32, #tpu.memory_space<vmem>>) semaphore(%arg24 : memref<!tpu.dma_semaphore, #tpu.memory_space<semaphore_mem>>)
      %dma_start3A_372 = arith.constant 0 : i32
      %dma_start3A_373 = tpu.memref_slice %arg3[%add3A_368, %dma_start3A_372] : memref<320000x128xf32, #tpu.memory_space<hbm>> -> memref<80x128xf32, #tpu.memory_space<hbm>>
      %dma_start3A_374 = arith.constant 0 : i32
      %dma_start3A_375 = tpu.memref_slice %arg3[%add3A_368, %dma_start3A_374] : memref<320000x128xf32, #tpu.memory_space<hbm>> -> memref<80x128xf32, #tpu.memory_space<hbm>>
      tpu.enqueue_dma source(%dma_start3A_375 : memref<80x128xf32, #tpu.memory_space<hbm>>) target(%arg17 : memref<80x128xf32, #tpu.memory_space<vmem>>) target_semaphore(%arg26 : memref<!tpu.dma_semaphore, #tpu.memory_space<semaphore_mem>>)
      %scan3A_376 = arith.constant 0 : i32
      scf.yield %scan3A_376 : i32
    }
    %scan3A_87 = arith.constant 31 : i32
    %dma_wait3A_88 = arith.constant 0 : i32
    %dma_wait3A_89 = arith.constant 0 : i32
    %dma_wait3A_90 = tpu.memref_slice %arg2[%dma_wait3A_88, %dma_wait3A_89] : memref<10000x128xf32, #tpu.memory_space<hbm>> -> memref<80x128xf32, #tpu.memory_space<hbm>>
    %dma_wait3A_91 = arith.constant 0 : i32
    %dma_wait3A_92 = arith.constant 0 : i32
    %dma_wait3A_93 = tpu.memref_slice %arg2[%dma_wait3A_91, %dma_wait3A_92] : memref<10000x128xf32, #tpu.memory_space<hbm>> -> memref<80x128xf32, #tpu.memory_space<hbm>>
    tpu.wait_dma2 semaphore(%arg24 : memref<!tpu.dma_semaphore, #tpu.memory_space<semaphore_mem>>) src(%dma_wait3A_93 : memref<80x128xf32, #tpu.memory_space<hbm>>) dst(%arg15 : memref<80x128xf32, #tpu.memory_space<vmem>>)
    %dma_wait3A_94 = arith.constant 0 : i32
    %dma_wait3A_95 = arith.constant 0 : i32
    %dma_wait3A_96 = tpu.memref_slice %arg3[%dma_wait3A_94, %dma_wait3A_95] : memref<320000x128xf32, #tpu.memory_space<hbm>> -> memref<80x128xf32, #tpu.memory_space<hbm>>
    %dma_wait3A_97 = arith.constant 0 : i32
    %dma_wait3A_98 = arith.constant 0 : i32
    %dma_wait3A_99 = tpu.memref_slice %arg3[%dma_wait3A_97, %dma_wait3A_98] : memref<320000x128xf32, #tpu.memory_space<hbm>> -> memref<80x128xf32, #tpu.memory_space<hbm>>
    tpu.wait_dma2 semaphore(%arg26 : memref<!tpu.dma_semaphore, #tpu.memory_space<semaphore_mem>>) src(%dma_wait3A_99 : memref<80x128xf32, #tpu.memory_space<hbm>>) dst(%arg17 : memref<80x128xf32, #tpu.memory_space<vmem>>)
    %dma_start3A_100 = arith.constant 0 : i32
    %dma_start3A_101 = arith.constant 0 : i32
    %dma_start3A_102 = tpu.memref_slice %arg19[%dma_start3A_100, %dma_start3A_101] : memref<10240x128xf32, #tpu.memory_space<vmem_shared>> -> memref<10240x128xf32, #tpu.memory_space<vmem_shared>>
    tpu.enqueue_indirect_dma source(%arg15 : memref<80x128xf32, #tpu.memory_space<vmem>>) target(%dma_start3A_102 : memref<10240x128xf32, #tpu.memory_space<vmem_shared>>) offsets(%arg11 : memref<80xi32, #tpu.memory_space<vmem>>) semaphore(%arg28 : memref<!tpu.dma_semaphore, #tpu.memory_space<semaphore_mem>>) {add = true}
    %dma_start3A_103 = arith.constant 0 : i32
    %dma_start3A_104 = arith.constant 0 : i32
    %dma_start3A_105 = tpu.memref_slice %arg19[%dma_start3A_103, %dma_start3A_104] : memref<10240x128xf32, #tpu.memory_space<vmem_shared>> -> memref<10240x128xf32, #tpu.memory_space<vmem_shared>>
    tpu.enqueue_indirect_dma source(%arg17 : memref<80x128xf32, #tpu.memory_space<vmem>>) target(%dma_start3A_105 : memref<10240x128xf32, #tpu.memory_space<vmem_shared>>) offsets(%arg11 : memref<80xi32, #tpu.memory_space<vmem>>) semaphore(%arg28 : memref<!tpu.dma_semaphore, #tpu.memory_space<semaphore_mem>>) {add = true}
    %dma_wait3A_106 = arith.constant 0 : i32
    %dma_wait3A_107 = arith.constant 0 : i32
    %dma_wait3A_108 = tpu.memref_slice %arg19[%dma_wait3A_106, %dma_wait3A_107] : memref<10240x128xf32, #tpu.memory_space<vmem_shared>> -> memref<80x128xf32, #tpu.memory_space<vmem_shared>>
    %dma_wait3A_109 = arith.constant 0 : i32
    %dma_wait3A_110 = arith.constant 0 : i32
    %dma_wait3A_111 = tpu.memref_slice %arg19[%dma_wait3A_109, %dma_wait3A_110] : memref<10240x128xf32, #tpu.memory_space<vmem_shared>> -> memref<80x128xf32, #tpu.memory_space<vmem_shared>>
    tpu.wait_dma2 semaphore(%arg29 : memref<!tpu.dma_semaphore, #tpu.memory_space<semaphore_mem>>) src(%arg16 : memref<80x128xf32, #tpu.memory_space<vmem>>) dst(%dma_wait3A_111 : memref<80x128xf32, #tpu.memory_space<vmem_shared>>)
    %dma_wait3A_112 = arith.constant 0 : i32
    %dma_wait3A_113 = arith.constant 0 : i32
    %dma_wait3A_114 = tpu.memref_slice %arg19[%dma_wait3A_112, %dma_wait3A_113] : memref<10240x128xf32, #tpu.memory_space<vmem_shared>> -> memref<80x128xf32, #tpu.memory_space<vmem_shared>>
    %dma_wait3A_115 = arith.constant 0 : i32
    %dma_wait3A_116 = arith.constant 0 : i32
    %dma_wait3A_117 = tpu.memref_slice %arg19[%dma_wait3A_115, %dma_wait3A_116] : memref<10240x128xf32, #tpu.memory_space<vmem_shared>> -> memref<80x128xf32, #tpu.memory_space<vmem_shared>>
    tpu.wait_dma2 semaphore(%arg29 : memref<!tpu.dma_semaphore, #tpu.memory_space<semaphore_mem>>) src(%arg18 : memref<80x128xf32, #tpu.memory_space<vmem>>) dst(%dma_wait3A_117 : memref<80x128xf32, #tpu.memory_space<vmem_shared>>)
    %dma_wait3A_118 = arith.constant 0 : i32
    %dma_wait3A_119 = arith.constant 0 : i32
    %dma_wait3A_120 = tpu.memref_slice %arg19[%dma_wait3A_118, %dma_wait3A_119] : memref<10240x128xf32, #tpu.memory_space<vmem_shared>> -> memref<80x128xf32, #tpu.memory_space<vmem_shared>>
    %dma_wait3A_121 = arith.constant 0 : i32
    %dma_wait3A_122 = arith.constant 0 : i32
    %dma_wait3A_123 = tpu.memref_slice %arg19[%dma_wait3A_121, %dma_wait3A_122] : memref<10240x128xf32, #tpu.memory_space<vmem_shared>> -> memref<80x128xf32, #tpu.memory_space<vmem_shared>>
    tpu.wait_dma2 semaphore(%arg28 : memref<!tpu.dma_semaphore, #tpu.memory_space<semaphore_mem>>) src(%arg15 : memref<80x128xf32, #tpu.memory_space<vmem>>) dst(%dma_wait3A_123 : memref<80x128xf32, #tpu.memory_space<vmem_shared>>)
    %dma_wait3A_124 = arith.constant 0 : i32
    %dma_wait3A_125 = arith.constant 0 : i32
    %dma_wait3A_126 = tpu.memref_slice %arg19[%dma_wait3A_124, %dma_wait3A_125] : memref<10240x128xf32, #tpu.memory_space<vmem_shared>> -> memref<80x128xf32, #tpu.memory_space<vmem_shared>>
    %dma_wait3A_127 = arith.constant 0 : i32
    %dma_wait3A_128 = arith.constant 0 : i32
    %dma_wait3A_129 = tpu.memref_slice %arg19[%dma_wait3A_127, %dma_wait3A_128] : memref<10240x128xf32, #tpu.memory_space<vmem_shared>> -> memref<80x128xf32, #tpu.memory_space<vmem_shared>>
    tpu.wait_dma2 semaphore(%arg28 : memref<!tpu.dma_semaphore, #tpu.memory_space<semaphore_mem>>) src(%arg17 : memref<80x128xf32, #tpu.memory_space<vmem>>) dst(%dma_wait3A_129 : memref<80x128xf32, #tpu.memory_space<vmem_shared>>)
    %barrier3A_130 = arith.constant 0 : index
    tpu.barrier barrier_id(%barrier3A_130)
    %mul3A_131 = arith.constant 640 : i32
    %mul3A_132 = arith.muli %arg1, %mul3A_131 : i32
    %mul3A_133 = arith.constant 640 : i32
    %mul3A_134 = arith.muli %arg1, %mul3A_133 : i32
    "tpu.region"() ({
      %run_scoped3A = tpu.sem_alloc : memref<!tpu.dma_semaphore, #tpu.memory_space<semaphore_mem>>
      %dma_start3A_135 = arith.constant 0 : i32
      %dma_start3A_136 = tpu.memref_slice %arg6[%arg0, %mul3A_134, %dma_start3A_135] : memref<2x10240x128xf32, #tpu.memory_space<hbm>> -> memref<1x640x128xf32, #tpu.memory_space<hbm>>
      %dma_start3A_137 = tpu.memref_squeeze %dma_start3A_136 : memref<1x640x128xf32, #tpu.memory_space<hbm>> -> memref<640x128xf32, #tpu.memory_space<hbm>>
      %dma_start3A_138 = arith.constant 0 : i32
      %dma_start3A_139 = tpu.memref_slice %arg19[%mul3A_132, %dma_start3A_138] : memref<10240x128xf32, #tpu.memory_space<vmem_shared>> -> memref<640x128xf32, #tpu.memory_space<vmem_shared>>
      tpu.enqueue_dma source(%dma_start3A_139 : memref<640x128xf32, #tpu.memory_space<vmem_shared>>) target(%dma_start3A_137 : memref<640x128xf32, #tpu.memory_space<hbm>>) target_semaphore(%run_scoped3A : memref<!tpu.dma_semaphore, #tpu.memory_space<semaphore_mem>>)
      %dma_wait3A_140 = arith.constant 0 : i32
      %dma_wait3A_141 = tpu.memref_slice %arg6[%arg0, %mul3A_134, %dma_wait3A_140] : memref<2x10240x128xf32, #tpu.memory_space<hbm>> -> memref<1x640x128xf32, #tpu.memory_space<hbm>>
      %dma_wait3A_142 = tpu.memref_squeeze %dma_wait3A_141 : memref<1x640x128xf32, #tpu.memory_space<hbm>> -> memref<640x128xf32, #tpu.memory_space<hbm>>
      %dma_wait3A_143 = arith.constant 0 : i32
      %dma_wait3A_144 = tpu.memref_slice %arg19[%mul3A_132, %dma_wait3A_143] : memref<10240x128xf32, #tpu.memory_space<vmem_shared>> -> memref<640x128xf32, #tpu.memory_space<vmem_shared>>
      tpu.wait_dma2 semaphore(%run_scoped3A : memref<!tpu.dma_semaphore, #tpu.memory_space<semaphore_mem>>) src(%dma_wait3A_144 : memref<640x128xf32, #tpu.memory_space<vmem_shared>>) dst(%dma_wait3A_142 : memref<640x128xf32, #tpu.memory_space<hbm>>)
      tpu.yield
    }) : () -> ()
    return
  }
}

</mosaic_0001>

<sc_bundles>
// kernel: _sc_aggregate.3.cloned.1.call-start
scs
__scs_entry_jumppad:
0x0: {  	(pc) =	sbr.rel $0x88, $3  }
0x1: {  	(tag) =	ssettag $0x0;
	lr =	simm.s32 $0x1  }
0x2: {  	[smem:$0x3F9D] =	sst lr;
	_ =	strace $0xD0000000  }
0x3: {  	_ = 	snop  }
0x4: {  	_ = 	snop  }
0x5: {  	_ = 	snop  }
0x6: {  	_ = 	snop  }
0x7: {  	_ = 	snop  }
__scs_overlays_trampoline_lowered:
0x8: {  	[smem:$0x3FAC] =	sst s0  }
0x9: {  	[smem:$0x3FAD] =	sst s1  }
0xa: {  	[smem:$0x3FAE] =	sst s2  }
0xb: {  	[smem:$0x3FAF] =	sst s3  }
0xc: {  	[smem:$0x3FB0] =	sst s4  }
0xd: {  	[smem:$0x3FB1] =	sst s5  }
0xe: {  	[smem:$0x3FB2] =	sst s6  }
0xf: {  	[smem:$0x3FB3] =	sst s7  }
0x10: {  	[smem:$0x3FB4] =	sst s8  }
0x11: {  	[smem:$0x3FB5] =	sst s9;
	s0 =	simm.s32 @!p0 $0x0  }
0x12: {  	s1 =	sld [smem:$0x3F9B];
	s0 =	simm.s32 @p0 $0x1  }
0x13: {  	[smem:$0x3FB6] =	sst s0;
	s0 =	simm.s32 @!p1 $0x0  }
0x14: {  	s2 =	sld [smem:$0x3F9A];
	s0 =	simm.s32 @p1 $0x1  }
0x15: {  	[smem:$0x3FB7] =	sst s0;
	s0 =	simm.s32 @!p2 $0x0  }
0x16: {  	s3 =	sld [smem:$0x3FDB];
	s0 =	simm.s32 @p2 $0x1  }
0x17: {  	s4 =	simm.s32 $0x1BF5;
	[smem:$0x3FB9] =	sst s0  }
0x18: {  	s0 =	sld [smem:$0x3F9C];
	_ =	swait.ge [sflag:s4], $0x0  }
0x19: {  	s7 =	sld [smem:$0x3F9D]  }
0x1a: {  	s8 =	sadd.s32 $0xFFFFE003, lr  }
0x1b: {  	s9 =	sadd.s32 $0xFFFFFEF7, lr;
	s5 =	simm.s32 $0xFFFFFFFF;
	p2 =	slt.u32 s8, $0xFFFFF086  }
0x1c: {  	p1 =	slt.u32 s9, $0xF7A;
	s5 =	simm.s32 @!p2 $0x0  }
0x1d: {  	s5 =	simm.s32 @p1 $0x1;
	p0 =	seq.s32 s7, s2  }
0x1e: {  	s7 =	smul.u32 @!p0 $0xF7A, s2;
	p2 =	seq.s32 @!p0 s5, $0x0  }
0x1f: {  	s9 =	smul.u32 $0xF7A, s1;
	s8 =	simm.s32 @!p0 $0x1BF5;
	p2 =	por !p2, p0  }
0x20: {  	[sflag:s8] =	ssyncset.s32 @!p0 $0xFFFFF086;
	s6 =	sadd.s32 @!p0 s3, s7;
	s7 =	simm.s32 @!p0 $0x108  }
0x21: {  	s3 =	sadd.s32 s3, s9;
	s6 =	sadd.s32 @!p0 $0x88, s6;
	s7 =	simm.s32 @p2 $0x1082  }
0x22: {  	[simem:s7], [sflag:s8] =	dma.local @!p0 [hbm:s6], $0xF7A  }
0x23: {  	s9 =	sor.u32 $0xD0000000, s2;
	s6 =	simm.s32 $0x108;
	_ =	swait.ge @!p0 [sflag:s8], $0x0  }
0x24: {  	s3 =	sadd.s32 $0x88, s3;
	s6 =	simm.s32 @!p1 $0x1082;
	[sflag:s4] =	ssyncset.s32 $0xFFFFF086  }
0x25: {  	[simem:s6], [sflag:s4] =	dma.local [hbm:s3], $0xF7A  }
0x26: {  	[smem:$0x3F9D] =	sst s1;
	(tag) =	ssettag s2;
	_ =	strace s9  }
0x27: {  	s1 =	sld [smem:$0x3FAD]  }
0x28: {  	s2 =	sld [smem:$0x3FAE]  }
0x29: {  	s4 =	sld [smem:$0x3FB0]  }
0x2a: {  	p0 =	seq.s32 s5, $0x0;
	s5 =	sld [smem:$0x3FB1]  }
0x2b: {  	s6 =	sld [smem:$0x3FB2]  }
0x2c: {  	s7 =	sld [smem:$0x3FB3]  }
0x2d: {  	s3 =	simm.s32 $0x108;
	s8 =	sld [smem:$0x3FB4]  }
0x2e: {  	s3 =	simm.s32 @!p0 $0x1082;
	s9 =	sld [smem:$0x3FB5]  }
0x2f: {  	lr =	sadd.s32 s0, s3;
	s0 =	sld [smem:$0x3FAC]  }
0x30: {  	s3 =	sld [smem:$0x3FAF]  }
0x31: {  	[smem:$0x3FB8] =	sst s10  }
0x32: {  	s10 =	sld [smem:$0x3FB6];
	_ =	sdelay $0x3  }
0x33: {  	p0 =	seq.s32 s10, $0x1;
	s10 =	sld [smem:$0x3FB8];
	_ =	sdelay $0x3  }
0x34: {  	[smem:$0x3FB8] =	sst s10  }
0x35: {  	s10 =	sld [smem:$0x3FB7];
	_ =	sdelay $0x3  }
0x36: {  	p1 =	seq.s32 s10, $0x1;
	s10 =	sld [smem:$0x3FB8];
	_ =	sdelay $0x3  }
0x37: {  	[smem:$0x3FB8] =	sst s10  }
0x38: {  	s10 =	sld [smem:$0x3FB9]  }
0x39: {  	_ = 	snop;
	(pc) =	sbr.ind lr, $3  }
0x3a: {  	_ = 	snop  }
0x3b: {  	_ = 	snop  }
0x3c: {  	p2 =	seq.s32 s10, $0x1;
	s10 =	sld [smem:$0x3FB8]  }
0x3d: {  	_ =	shalt  }
0x3e: {  	_ =	shalt  }
0x3f: {  	_ =	shalt  }
0x40: {  	_ =	shalt  }
0x41: {  	_ =	shalt  }
0x42: {  	_ =	shalt  }
0x43: {  	_ =	shalt  }
0x44: {  	_ =	shalt  }
0x45: {  	_ =	shalt  }
0x46: {  	_ =	shalt  }
0x47: {  	_ =	shalt  }
0x48: {  	_ =	shalt  }
0x49: {  	_ =	shalt  }
0x4a: {  	_ =	shalt  }
0x4b: {  	_ =	shalt  }
0x4c: {  	_ =	shalt  }
0x4d: {  	_ =	shalt  }
0x4e: {  	_ =	shalt  }
0x4f: {  	_ =	shalt  }
0x50: {  	_ =	shalt  }
0x51: {  	_ =	shalt  }
0x52: {  	_ =	shalt  }
0x53: {  	_ =	shalt  }
0x54: {  	_ =	shalt  }
0x55: {  	_ =	shalt  }
0x56: {  	_ =	shalt  }
0x57: {  	_ =	shalt  }
0x58: {  	_ =	shalt  }
0x59: {  	_ =	shalt  }
0x5a: {  	_ =	shalt  }
0x5b: {  	_ =	shalt  }
0x5c: {  	_ =	shalt  }
0x5d: {  	_ =	shalt  }
0x5e: {  	_ =	shalt  }
0x5f: {  	_ =	shalt  }
0x60: {  	_ =	shalt  }
0x61: {  	_ =	shalt  }
0x62: {  	_ =	shalt  }
0x63: {  	_ =	shalt  }
0x64: {  	_ =	shalt  }
0x65: {  	_ =	shalt  }
0x66: {  	_ =	shalt  }
0x67: {  	_ =	shalt  }
0x68: {  	_ =	shalt  }
0x69: {  	_ =	shalt  }
0x6a: {  	_ =	shalt  }
0x6b: {  	_ =	shalt  }
0x6c: {  	_ =	shalt  }
0x6d: {  	_ =	shalt  }
0x6e: {  	_ =	shalt  }
0x6f: {  	_ =	shalt  }
0x70: {  	_ =	shalt  }
0x71: {  	_ =	shalt  }
0x72: {  	_ =	shalt  }
0x73: {  	_ =	shalt  }
0x74: {  	_ =	shalt  }
0x75: {  	_ =	shalt  }
0x76: {  	_ =	shalt  }
0x77: {  	_ =	shalt  }
0x78: {  	_ =	shalt  }
0x79: {  	_ =	shalt  }
0x7a: {  	_ =	shalt  }
0x7b: {  	_ =	shalt  }
0x7c: {  	_ =	shalt  }
0x7d: {  	_ =	shalt  }
0x7e: {  	_ =	shalt  }
0x7f: {  	_ =	shalt  }
0x80: {  	_ =	shalt  }
0x81: {  	_ =	shalt  }
0x82: {  	_ =	shalt  }
0x83: {  	_ =	shalt  }
0x84: {  	_ =	shalt  }
0x85: {  	_ =	shalt  }
0x86: {  	_ =	shalt  }
0x87: {  	_ =	shalt  }
.Lfunc_end0:
.L_simem_size_0:
called_computation_lowered:
.L_overlay_start_0:
0x88: {  	s2 =	sld [smem:$0x3FD9]  }
0x89: {  	s3 =	sld [smem:$0x3FFE];
	_ =	sdelay $0x1  }
0x8a: {  	s1 =	srdreg.scid  }
0x8b: {  	s0 =	sand.u32 $0x1, s1  }
0x8c: {  	s18 =	sshll.u32 s0, $0xA;
	s2 =	sadd.s32 s3, s2  }
0x8d: {  	s2 =	sadd.s32 s2, s18  }
0x8e: {  	[smem:$0x3FC4] =	sst s2  }
0x8f: {  	_ = 	snop  }
0x90: {  	s2 =	sld [smem:$0x3FC9]  }
0x91: {  	s19 =	sld [smem:$0x3FC8]  }
0x92: {  	s4 =	sld [smem:$0x3FC7]  }
0x93: {  	s5 =	sld [smem:$0x3FC6]  }
0x94: {  	s6 =	sld [smem:$0x3FD0];
	(tm) =	ssettm $0x1  }
0x95: {  	s7 =	sld [smem:$0x3FFB];
	_ =	sdelay $0x3  }
0x96: {  	_ =	strace s7  }
0x97: {  	s7 =	sld [smem:$0x3FFC];
	_ =	sdelay $0x3  }
0x98: {  	_ =	strace s7  }
0x99: {  	s7 =	sld [smem:$0x3FFD];
	_ =	sdelay $0x3  }
0x9a: {  	_ =	strace s7  }
0x9b: {  	_ =	strace $0x8FFFFFFF  }
0x9c: {  	s20 =	sld [smem:$0x3FDB];
	_ =	sdelay $0x1  }
0x9d: {  	s8 =	simm.s32 $_scs_section_size  }
0x9e: {  	s9 =	simm.s32 $_size__tile_overlayer_lowered;
	s10 =	simm.s32 $_tile_overlayer_lowered  }
0x9f: {  	s23 =	simm.s32 $0x1BFF;
	s22 =	sshll.u32 s10, $0x1;
	s7 =	sadd.s32 s8, s20  }
0xa0: {  	s11 =	simm.s32 $0x0;
	s21 =	sshll.u32 s9, $0x1;
	s9 =	sadd.s32 s22, s7  }
0xa1: {  	[timem:s11], [sflag:s23] =	dma.local [hbm:s9], s21  }
0xa2: {  	_ =	swait.ge [sflag:s23], s21  }
0xa3: {  	s8 =	ssub.s32 $0x0, s21;
	[sflag:s23] =	ssyncset.done $0x0  }
0xa4: {  	[sflag:s23] =	ssyncadd.s32 s8;
	_ =	sdelay $0x1  }
0xa5: {  	s24 =	simm.s32 $0x1B8B  }
0xa6: {  	_ =	swait.ge [sflag:s24], $0x1  }
0xa7: {  	[sflag:s24] =	ssyncset.done $0x0  }
0xa8: {  	s25 =	simm.s32 $0x1B8E;
	[sflag:s24] =	ssyncadd.s32 $0xFFFFFFFF  }
0xa9: {  	s26 =	simm.s32 $execute0_lowered;
	[smem:$0x3FD2] =	sst s25  }
0xaa: {  	s8 =	sshll.u32 s26, $0x1;
	_ =	strace $0x80000046;
	[dreg:$0x1] =	wrdreg $0xFFFFFFFF  }
0xab: {  	s28 =	simm.s32 $_size_execute0_lowered;
	s7 =	sadd.s32 s7, s8;
	[dreg:$0x0] =	wrdreg $0x0  }
0xac: {  	s8 =	sshll.u32 s28, $0x1;
	[dreg:$0x2] =	wrdreg s7  }
0xad: {  	[dreg:$0x3] =	wrdreg s8  }
0xae: {  	[dreg:$0x4] =	wrdreg $0xC0  }
0xaf: {  	_ =	task [dreg:s11], $0x5FFFF  }
0xb0: {  	[dreg:$0x1] =	wrdreg $0xFFFFFFFF  }
0xb1: {  	[dreg:$0x0] =	wrdreg $0x60  }
0xb2: {  	[dreg:$0x2] =	wrdreg s2  }
0xb3: {  	[dreg:$0x3] =	wrdreg s19  }
0xb4: {  	[dreg:$0x4] =	wrdreg s4  }
0xb5: {  	[dreg:$0x5] =	wrdreg s5  }
0xb6: {  	[dreg:$0x6] =	wrdreg s6  }
0xb7: {  	[dreg:$0x7] =	wrdreg $0xA4000  }
0xb8: {  	[dreg:$0x8] =	wrdreg $0x9  }
0xb9: {  	_ =	task.clear_ibuf [dreg:s11], $0x9FFFF;
	_ =	strace $0x90000046  }
0xba: {  	s29 =	simm.s32 $0x9;
	_ =	strace $0x80000048  }
0xbb: {  	_ =	swait.ge [sflag:s29], $0x1  }
0xbc: {  	[sflag:s29] =	ssyncadd.s32 $0xFFFFFFFF  }
0xbd: {  	_ =	strace $0x90000048  }
0xbe: {  	_ =	sfence  }
0xbf: {  	s30 =	sld [smem:$0x0];
	_ =	sdelay $0x2  }
0xc0: {  	s31 =	sshll.u32 s1, $0xD;
	s1 =	sshrl.u32 s1, $0x2  }
0xc1: {  	s3 =	sand.u32 $0x4000, s31;
	s1 =	sadd.s32 s1, s30  }
0xc2: {  	s0 =	sor.u32 s3, s0;
	s1 =	sshll.u32 s1, $0x11  }
0xc3: {  	s0 =	sor.u32 s1, s0  }
0xc4: {  	s0 =	sadd.s32 $0x8F2B, s0  }
0xc5: {  	[sflag:s0] =	ssyncadd.remote.s32 $0x1  }
0xc6: {  	_ =	sfence.sel $0xFFFF  }
0xc7: {  	[dreg:$0x0] =	wrdreg $0xFFFFFFFF;
	(pc) =	sbr.abs _section_cstart, $3  }
0xc8: {  	[dreg:$0x1] =	wrdreg $0xFFFFFFFF  }
0xc9: {  	_ =	task.clear_ibuf [dreg:s11], $0x2FFFF;
	_ =	strace $0x9FFFFFFF  }
0xca: {  	(tm) =	ssettm $0x7FFFFFFF  }
0xcb: {  	_ =	shalt  }
tec
execute0_lowered:
.L_overlay_start_1:
0x0: {  	(tag) =	ssettag $0x1  }
0x1: {  	s0 =	rddreg [dreg:$0x0]  }
0x2: {  	s1 =	rddreg [dreg:$0x1];
	s3 =	stileid.u32  }
0x3: {  	s28 =	rddreg [dreg:$0x2];
	s17 =	smul.u32 $0x50000, s3  }
0x4: {  	s2 =	srdreg.scid;
	s19 =	smul.u32 $0x4E20, s3  }
0x5: {  	s29 =	rddreg [dreg:$0x3];
	s2 =	sand.u32 $0x1, s2;
	s21 =	smul.u32 $0x14000, s3  }
0x6: {  	s4 =	rddreg [dreg:$0x4];
	s6 =	sshll.u32 s3, $0x1;
	s12 =	smul.u32 $0x140000, s2  }
0x7: {  	s5 =	rddreg [dreg:$0x5];
	s7 =	sor.u32 s2, s6;
	s20 =	smul.u32 $0x2710, s2  }
0x8: {  	s30 =	simm.s32 $0x80;
	s31 =	simm.s32 $0x280;
	s8 =	smul.u32 $0x2710, s7  }
0x9: {  	s6 =	simm.s32 $0x0;
	s9 =	ssub.s32 $0x2, s2;
	s2 =	smul.u32 $0x27100, s2  }
0xa: {  	[smem:$0x7FF] =	sst s6;
	s10 =	sshrl.u32 s9, $0x1;
	s8 =	sshrl.u32 s8, $0x3  }
0xb: {  	s7 =	smul.u32 $0x27100, s7;
	_ =	strace $0x80000047;
	s16 =	sadd.s32 s28, s8  }
0xc: {  	s11 =	sadd.s32 s29, s8;
	s18 =	sadd.s32 $0xA, s8;
	[dreg:$0xd] =	wrdreg s16  }
0xd: {  	s9 =	ssub.s32 s9, s10;
	[dreg:$0xe] =	wrdreg s11;
	s13 =	sadd.s32 s28, s18  }
0xe: {  	s8 =	sadd.s32 $0x14, s8;
	s11 =	sadd.s32 s29, s18;
	[dreg:$0xf] =	wrdreg s13  }
0xf: {  	s10 =	sshrl.u32 s17, $0x2;
	s14 =	sadd.s32 s28, s8;
	[dreg:$0x10] =	wrdreg s11  }
0x10: {  	s8 =	sadd.s32 s29, s8;
	s16 =	sadd.s32 s1, s7;
	[dreg:$0x11] =	wrdreg s14  }
0x11: {  	s7 =	simm.s32 $0x1;
	s14 =	sadd.s32 s10, s5;
	[dreg:$0x13] =	wrdreg s8  }
0x12: {  	s8 =	sadd.s32 s20, s19;
	s10 =	sadd.s32 s21, s12;
	s13 =	smul.u32 $0x4E200, s3  }
0x13: {  	[dreg:$0x18] =	wrdreg s16;
	s3 =	simm.s32 $0xB;
	s16 =	simm.s32 $0x2  }
0x14: {  	s22 =	sadd.s32 $0x2800, s14;
	s23 =	sadd.s32 $0x5000, s14;
	s24 =	sadd.s32 $0x1E0, s8  }
0x15: {  	s10 =	sshrl.u32 s10, $0x3;
	s26 =	sadd.s32 $0x190, s8;
	[dreg:$0x12] =	wrdreg s14  }
0x16: {  	s15 =	sadd.s32 $0x7800, s14;
	s17 =	sadd.s32 $0xF0, s8;
	[dreg:$0x14] =	wrdreg s22  }
0x17: {  	s18 =	sadd.s32 $0xA000, s14;
	s21 =	sadd.s32 $0xC800, s14;
	[dreg:$0x15] =	wrdreg s23  }
0x18: {  	s11 =	sshrl.u32 s24, $0x3;
	s4 =	sadd.s32 s4, s10;
	[dreg:$0x17] =	wrdreg s15  }
0x19: {  	s10 =	sshrl.u32 s26, $0x3;
	s1 =	sadd.s32 s13, s1;
	[dreg:$0x19] =	wrdreg s18  }
0x1a: {  	[dreg:$0x1a] =	wrdreg s21;
	s23 =	sadd.s32 $0xF000, s14;
	s24 =	sadd.s32 $0x11800, s14  }
0x1b: {  	s26 =	sadd.s32 $0x140, s8;
	s15 =	simm.s32 $0x200;
	s8 =	simm.s32 $0x50  }
0x1c: {  	s13 =	simm.s32 $0x7;
	s18 =	simm.s32 $0x6;
	[dreg:$0x16] =	wrdreg s4  }
0x1d: {  	s21 =	simm.s32 $0x3;
	s25 =	sadd.s32 s11, s29;
	[dreg:$0x1b] =	wrdreg s23  }
0x1e: {  	s11 =	sadd.s32 s11, s28;
	s12 =	sadd.s32 s10, s29;
	[dreg:$0x1c] =	wrdreg s24  }
0x1f: {  	s19 =	sadd.s32 s10, s28;
	s4 =	sshrl.u32 s17, $0x3;
	[dreg:$0x1f] =	wrdreg s26  }
0x20: {  	s1 =	sadd.s32 s2, s1;
	s24 =	simm.s32 $0x100;
	[dreg:$0x7] =	wrdreg s25  }
0x21: {  	s2 =	simm.s32 $0x300;
	s10 =	simm.s32 $0x5400;
	[dreg:$0x8] =	wrdreg s11  }
0x22: {  	s26 =	simm.s32 $0x380;
	s17 =	simm.s32 $0x2C00;
	[dreg:$0x9] =	wrdreg s12  }
0x23: {  	s23 =	simm.s32 $0x4;
	[dreg:$0xa] =	wrdreg s19;
	s20 =	sadd.s32 s4, s29  }
0x24: {  	s22 =	sadd.s32 s4, s28;
	s25 =	smax.u32 s9, $0x1;
	[dreg:$0xb] =	wrdreg s20  }
0x25: {  	s1 =	sadd.s32 $0xA00, s1;
	s4 =	simm.s32 $0x7C00;
	[dreg:$0xc] =	wrdreg s22  }
0x26: {  	s9 =	simm.s32 $0x400;
	s11 =	simm.s32 $0x5;
	[dreg:$0x1d] =	wrdreg s25  }
0x27: {  	s19 =	simm.s32 $0x8;
	s12 =	simm.s32 $0x0;
	[dreg:$0x1e] =	wrdreg s1  }
0x28: {  	v0 =	vimm.f32 $0.0e+00;
	s25 =	simm.s32 $0x180;
	s20 =	simm.s32 $0x9;
	s22 =	simm.s32 $0xA  }
.LBB2_1:
0x29: {  	[smem:$0x7FD] =	sst s12  }
0x2a: {  	s1 =	rddreg [dreg:$0xd]  }
0x2b: {  	[tilespmem:s6], [sflag:$0x1] =	stream.linear.gather [hbm4b:s1+s6], $0x50, $0x38;
	[tilespmem:$0x1E400] =	vst v63  }
0x2c: {  	s12 =	rddreg [dreg:$0xe]  }
0x2d: {  	[tilespmem:s15], [sflag:$0x1] =	stream.linear.gather [hbm4b:s12+s6], $0x50, $0x38;
	[tilespmem:$0x1E400] =	vst v63  }
0x2e: {  	s12 =	rddreg [dreg:$0xf]  }
0x2f: {  	[tilespmem:s30], [sflag:$0x2] =	stream.linear.gather [hbm4b:s12+s6], $0x50, $0x38;
	[tilespmem:$0x1E400] =	vst v63  }
0x30: {  	s12 =	rddreg [dreg:$0x10]  }
0x31: {  	[tilespmem:s31], [sflag:$0x2] =	stream.linear.gather [hbm4b:s12+s6], $0x50, $0x38;
	[tilespmem:$0x1E400] =	vst v63  }
0x32: {  	s12 =	rddreg [dreg:$0x11]  }
0x33: {  	[tilespmem:s24], [sflag:$0x3] =	stream.linear.gather [hbm4b:s12+s6], $0x50, $0x38;
	[tilespmem:$0x1E400] =	vst v63  }
0x34: {  	s12 =	rddreg [dreg:$0x13]  }
0x35: {  	[tilespmem:s2], [sflag:$0x3] =	stream.linear.gather [hbm4b:s12+s6], $0x50, $0x38;
	[tilespmem:$0x1E400] =	vst v63  }
0x36: {  	s1 =	simm.s32 $0x0;
	s2 =	simm.s32 $0x200  }
.LBB2_2:
0x37: {  	p0 =	sne.s32 s2, $0x9E00;
	[tilespmem:s1+$0x7C70] =	vst v0  }
0x38: {  	[tilespmem:s1+$0x7C00] =	vst v0  }
0x39: {  	[tilespmem:s1+$0x7C10] =	vst v0  }
.Ltmp0:
0x3a: {  	[tilespmem:s1+$0x7C20] =	vst v0;
	(pc) =	sbr.rel @p0 .LBB2_2-.Ltmp0, $4  }
0x3b: {  	[tilespmem:s1+$0x7C30] =	vst v0  }
0x3c: {  	[tilespmem:s1+$0x7C40] =	vst v0  }
0x3d: {  	[tilespmem:s1+$0x7C50] =	vst v0  }
0x3e: {  	[tilespmem:s1+$0x7C60] =	vst v0;
	s1 =	sshra.s32 s2, $0x2;
	s2 =	sadd.s32 $0x200, s2  }
0x3f: {  	[tilespmem:s1+$0x7C70] =	vst v0  }
0x40: {  	[tilespmem:s1+$0x7C00] =	vst v0  }
0x41: {  	[tilespmem:s1+$0x7C10] =	vst v0  }
0x42: {  	[tilespmem:s1+$0x7C20] =	vst v0  }
0x43: {  	[tilespmem:s1+$0x7C30] =	vst v0  }
0x44: {  	[tilespmem:s1+$0x7C40] =	vst v0  }
0x45: {  	[tilespmem:s1+$0x7C50] =	vst v0  }
0x46: {  	[tilespmem:s1+$0x7C60] =	vst v0  }
0x47: {  	[spmem:s14] =	stream.linear.scatter [tilespmem:s4], [sflag:$0xB], $0x2800, $0x38;
	[tilespmem:$0x1E400] =	vst v63  }
0x48: {  	_ =	swait.ge [sflag:s3], $0x2800  }
0x49: {  	[sflag:s3] =	ssyncset.done $0x0  }
0x4a: {  	s12 =	rddreg [dreg:$0x14];
	[sflag:s3] =	ssyncadd.s32 $0xFFFFD800  }
0x4b: {  	[spmem:s12] =	stream.linear.scatter [tilespmem:s4], [sflag:$0xB], $0x2800, $0x38;
	[tilespmem:$0x1E400] =	vst v63  }
0x4c: {  	_ =	swait.ge [sflag:s3], $0x2800  }
0x4d: {  	[sflag:s3] =	ssyncset.done $0x0  }
0x4e: {  	s14 =	rddreg [dreg:$0x15];
	[sflag:s3] =	ssyncadd.s32 $0xFFFFD800  }
0x4f: {  	[spmem:s14] =	stream.linear.scatter [tilespmem:s4], [sflag:$0xB], $0x2800, $0x38;
	[tilespmem:$0x1E400] =	vst v63  }
0x50: {  	_ =	swait.ge [sflag:s3], $0x2800  }
0x51: {  	[sflag:s3] =	ssyncset.done $0x0  }
0x52: {  	s2 =	rddreg [dreg:$0x17];
	[sflag:s3] =	ssyncadd.s32 $0xFFFFD800  }
0x53: {  	[spmem:s2] =	stream.linear.scatter [tilespmem:s4], [sflag:$0xB], $0x2800, $0x38;
	[tilespmem:$0x1E400] =	vst v63  }
0x54: {  	_ =	swait.ge [sflag:s3], $0x2800  }
0x55: {  	[sflag:s3] =	ssyncset.done $0x0  }
0x56: {  	s12 =	rddreg [dreg:$0x19];
	[sflag:s3] =	ssyncadd.s32 $0xFFFFD800  }
0x57: {  	[spmem:s12] =	stream.linear.scatter [tilespmem:s4], [sflag:$0xB], $0x2800, $0x38;
	[tilespmem:$0x1E400] =	vst v63  }
0x58: {  	_ =	swait.ge [sflag:s3], $0x2800  }
0x59: {  	[sflag:s3] =	ssyncset.done $0x0  }
0x5a: {  	s14 =	rddreg [dreg:$0x1a];
	[sflag:s3] =	ssyncadd.s32 $0xFFFFD800  }
0x5b: {  	[spmem:s14] =	stream.linear.scatter [tilespmem:s4], [sflag:$0xB], $0x2800, $0x38;
	[tilespmem:$0x1E400] =	vst v63  }
0x5c: {  	_ =	swait.ge [sflag:s3], $0x2800  }
0x5d: {  	[sflag:s3] =	ssyncset.done $0x0  }
0x5e: {  	s2 =	rddreg [dreg:$0x1b];
	[sflag:s3] =	ssyncadd.s32 $0xFFFFD800  }
0x5f: {  	[spmem:s2] =	stream.linear.scatter [tilespmem:s4], [sflag:$0xB], $0x2800, $0x38;
	[tilespmem:$0x1E400] =	vst v63  }
0x60: {  	_ =	swait.ge [sflag:s3], $0x2800  }
0x61: {  	[sflag:s3] =	ssyncset.done $0x0  }
0x62: {  	s12 =	rddreg [dreg:$0x1c];
	[sflag:s3] =	ssyncadd.s32 $0xFFFFD800  }
0x63: {  	[spmem:s12] =	stream.linear.scatter [tilespmem:s4], [sflag:$0xB], $0x2800, $0x38;
	[tilespmem:$0x1E400] =	vst v63  }
0x64: {  	_ =	swait.ge [sflag:s3], $0x2800  }
0x65: {  	[sflag:s3] =	ssyncset.done $0x0  }
0x66: {  	[sflag:s3] =	ssyncadd.s32 $0xFFFFD800  }
0x67: {  	_ =	swait.ge [sflag:s7], $0x50  }
0x68: {  	[sflag:s7] =	ssyncset.done $0x0  }
0x69: {  	[sflag:s7] =	ssyncadd.s32 $0xFFFFFFB0  }
0x6a: {  	_ =	swait.ge [sflag:s7], $0x50  }
0x6b: {  	[sflag:s7] =	ssyncset.done $0x0  }
0x6c: {  	s14 =	simm.s32 $0x0;
	[sflag:s7] =	ssyncadd.s32 $0xFFFFFFB0  }
0x6d: {  	[tilespmem:s9], [sflag:$0x5] =	stream.indirect.gather [hbm4b:s0+s8], $0x80, s14, s8, $0xb8;
	[tilespmem:$0x1E400] =	vst v63  }
0x6e: {  	s2 =	rddreg [dreg:$0x18]  }
0x6f: {  	[tilespmem:s10], [sflag:$0x7] =	stream.linear.gather [hbm4b:s2+s14], $0x2800, $0x38;
	[tilespmem:$0x1E400] =	vst v63  }
0x70: {  	[bflag:$0x0] =	sbarrier.arrive $0xFFFF  }
0x71: {  	_ =	swait.ge [sflag:s11], $0x2800  }
0x72: {  	[sflag:s11] =	ssyncset.done $0x0  }
0x73: {  	[sflag:s11] =	ssyncadd.s32 $0xFFFFD800  }
0x74: {  	_ =	swait.ge [sflag:s13], $0x2800  }
0x75: {  	[sflag:s13] =	ssyncset.done $0x0  }
0x76: {  	p0 =	por $0x1, $0x1;
	[sflag:s13] =	ssyncadd.s32 $0xFFFFD800  }
0x77: {  	[spmem:s5] =	stream.indirect.scatter.add.f32 [tilespmem:s9], [sflag:$0x9], $0x80, s15, s8, $0xb8;
	[tilespmem:$0x1E400] =	vst v63  }
0x78: {  	s1 =	simm.s32 @!p0 $0xA  }
0x79: {  	[spmem:s5] =	stream.indirect.scatter.add.f32 [tilespmem:s10], [sflag:$0x9], $0x80, s15, s8, $0xb8;
	[tilespmem:$0x1E400] =	vst v63  }
0x7a: {  	_ =	swait.ge @!p0 [sflag:s1], $0x2800  }
0x7b: {  	[sflag:s1] =	ssyncset.done @!p0 $0x0  }
0x7c: {  	[sflag:s1] =	ssyncadd.s32 @!p0 $0xFFFFD800  }
0x7d: {  	_ =	swait.ge @!p0 [sflag:s1], $0x2800  }
0x7e: {  	s3 =	rddreg [dreg:$0xc];
	[sflag:s1] =	ssyncset.done @!p0 $0x0  }
0x7f: {  	s12 =	rddreg [dreg:$0xb];
	[sflag:s1] =	ssyncadd.s32 @!p0 $0xFFFFD800;
	s14 =	sadd.s32 $0x0, s3  }
0x80: {  	[tilespmem:s25], [sflag:$0x4] =	stream.linear.gather [hbm4b:s14+s6], $0x50, $0x38;
	[tilespmem:$0x1E400] =	vst v63  }
0x81: {  	s25 =	sadd.s32 $0x0, s12  }
0x82: {  	[tilespmem:s26], [sflag:$0x4] =	stream.linear.gather [hbm4b:s25+s6], $0x50, $0x38;
	[tilespmem:$0x1E400] =	vst v63  }
0x83: {  	_ =	swait.ge [sflag:s16], $0x50  }
0x84: {  	[sflag:s16] =	ssyncset.done $0x0  }
0x85: {  	[sflag:s16] =	ssyncadd.s32 $0xFFFFFFB0  }
0x86: {  	_ =	swait.ge [sflag:s16], $0x50  }
0x87: {  	[sflag:s16] =	ssyncset.done $0x0  }
0x88: {  	s3 =	rddreg [dreg:$0x1e];
	[sflag:s16] =	ssyncadd.s32 $0xFFFFFFB0  }
0x89: {  	[tilespmem:s17], [sflag:$0x6] =	stream.indirect.gather [hbm4b:s0+s8], $0x80, s30, s8, $0xb8;
	[tilespmem:$0x1E400] =	vst v63  }
0x8a: {  	s2 =	sadd.s32 $0xFFFFFB00, s3  }
0x8b: {  	[tilespmem:s4], [sflag:$0x8] =	stream.linear.gather [hbm4b:s2+s6], $0x2800, $0x38;
	[tilespmem:$0x1E400] =	vst v63  }
0x8c: {  	_ =	swait.ge [sflag:s18], $0x2800  }
0x8d: {  	[sflag:s18] =	ssyncset.done $0x0  }
0x8e: {  	[sflag:s18] =	ssyncadd.s32 $0xFFFFD800  }
0x8f: {  	_ =	swait.ge [sflag:s19], $0x2800  }
0x90: {  	[sflag:s19] =	ssyncset.done $0x0  }
0x91: {  	[sflag:s19] =	ssyncadd.s32 $0xFFFFD800  }
0x92: {  	[spmem:s5] =	stream.indirect.scatter.add.f32 [tilespmem:s17], [sflag:$0xA], $0x80, s31, s8, $0xb8;
	[tilespmem:$0x1E400] =	vst v63  }
0x93: {  	_ = 	snop  }
0x94: {  	[spmem:s5] =	stream.indirect.scatter.add.f32 [tilespmem:s4], [sflag:$0xA], $0x80, s31, s8, $0xb8;
	[tilespmem:$0x1E400] =	vst v63  }
0x95: {  	_ =	swait.ge [sflag:s20], $0x2800  }
0x96: {  	[sflag:s20] =	ssyncset.done $0x0  }
0x97: {  	[sflag:s20] =	ssyncadd.s32 $0xFFFFD800  }
0x98: {  	_ =	swait.ge [sflag:s20], $0x2800  }
0x99: {  	s25 =	rddreg [dreg:$0x1f]  }
0x9a: {  	[sflag:s20] =	ssyncset.done $0x0;
	s12 =	sshrl.u32 s25, $0x3  }
0x9b: {  	[sflag:s20] =	ssyncadd.s32 $0xFFFFD800;
	s26 =	sadd.s32 s28, s12  }
0x9c: {  	[tilespmem:s6], [sflag:$0x1] =	stream.linear.gather [hbm4b:s26+s6], $0x50, $0x38;
	[tilespmem:$0x1E400] =	vst v63  }
0x9d: {  	s1 =	sadd.s32 s29, s12  }
0x9e: {  	[tilespmem:s15], [sflag:$0x1] =	stream.linear.gather [hbm4b:s1+s6], $0x50, $0x38;
	[tilespmem:$0x1E400] =	vst v63  }
0x9f: {  	_ =	swait.ge [sflag:s21], $0x50  }
0xa0: {  	[sflag:s21] =	ssyncset.done $0x0  }
0xa1: {  	[sflag:s21] =	ssyncadd.s32 $0xFFFFFFB0  }
0xa2: {  	_ =	swait.ge [sflag:s21], $0x50  }
0xa3: {  	[sflag:s21] =	ssyncset.done $0x0  }
0xa4: {  	[sflag:s21] =	ssyncadd.s32 $0xFFFFFFB0  }
0xa5: {  	[tilespmem:s9], [sflag:$0x5] =	stream.indirect.gather [hbm4b:s0+s8], $0x80, s24, s8, $0xb8;
	[tilespmem:$0x1E400] =	vst v63  }
0xa6: {  	_ = 	snop  }
0xa7: {  	[tilespmem:s10], [sflag:$0x7] =	stream.linear.gather [hbm4b:s3+s6], $0x2800, $0x38;
	[tilespmem:$0x1E400] =	vst v63  }
0xa8: {  	_ =	swait.ge [sflag:s11], $0x2800  }
0xa9: {  	[sflag:s11] =	ssyncset.done $0x0  }
0xaa: {  	[sflag:s11] =	ssyncadd.s32 $0xFFFFD800  }
0xab: {  	_ =	swait.ge [sflag:s13], $0x2800  }
0xac: {  	[sflag:s13] =	ssyncset.done $0x0  }
0xad: {  	s12 =	simm.s32 $0x300;
	[sflag:s13] =	ssyncadd.s32 $0xFFFFD800  }
0xae: {  	[spmem:s5] =	stream.indirect.scatter.add.f32 [tilespmem:s9], [sflag:$0x9], $0x80, s12, s8, $0xb8;
	[tilespmem:$0x1E400] =	vst v63  }
0xaf: {  	_ = 	snop  }
0xb0: {  	[spmem:s5] =	stream.indirect.scatter.add.f32 [tilespmem:s10], [sflag:$0x9], $0x80, s12, s8, $0xb8;
	[tilespmem:$0x1E400] =	vst v63  }
0xb1: {  	_ =	swait.ge [sflag:s22], $0x2800  }
0xb2: {  	[sflag:s22] =	ssyncset.done $0x0  }
0xb3: {  	p0 =	por $0x0, $0x0;
	[sflag:s22] =	ssyncadd.s32 $0xFFFFD800  }
0xb4: {  	s24 =	simm.s32 @!p0 $0x80;
	_ =	swait.ge [sflag:s22], $0x2800  }
0xb5: {  	s12 =	simm.s32 @!p0 $0x0;
	s1 =	rddreg [dreg:$0xa];
	[sflag:s22] =	ssyncset.done $0x0  }
0xb6: {  	s2 =	rddreg [dreg:$0x9];
	[sflag:s22] =	ssyncadd.s32 $0xFFFFD800;
	s1 =	sadd.s32 @!p0 $0x0, s1  }
0xb7: {  	[tilespmem:s24], [sflag:$0x2] =	stream.linear.gather @!p0 [hbm4b:s1+s12], $0x50, $0x38;
	[tilespmem:$0x1E400] =	vst v63  }
0xb8: {  	s1 =	sadd.s32 @!p0 $0x0, s2;
	s2 =	simm.s32 @!p0 $0x280  }
0xb9: {  	[tilespmem:s2], [sflag:$0x2] =	stream.linear.gather @!p0 [hbm4b:s1+s12], $0x50, $0x38;
	[tilespmem:$0x1E400] =	vst v63  }
0xba: {  	_ =	swait.ge [sflag:s23], $0x50  }
0xbb: {  	[sflag:s23] =	ssyncset.done $0x0  }
0xbc: {  	[sflag:s23] =	ssyncadd.s32 $0xFFFFFFB0  }
0xbd: {  	_ =	swait.ge [sflag:s23], $0x50  }
0xbe: {  	[sflag:s23] =	ssyncset.done $0x0  }
0xbf: {  	s14 =	simm.s32 $0x180;
	[sflag:s23] =	ssyncadd.s32 $0xFFFFFFB0  }
0xc0: {  	[tilespmem:s17], [sflag:$0x6] =	stream.indirect.gather [hbm4b:s0+s8], $0x80, s14, s8, $0xb8;
	[tilespmem:$0x1E400] =	vst v63  }
0xc1: {  	s24 =	sadd.s32 $0x500, s3  }
0xc2: {  	[tilespmem:s4], [sflag:$0x8] =	stream.linear.gather [hbm4b:s24+s6], $0x2800, $0x38;
	[tilespmem:$0x1E400] =	vst v63  }
0xc3: {  	_ =	swait.ge [sflag:s18], $0x2800  }
0xc4: {  	[sflag:s18] =	ssyncset.done $0x0  }
0xc5: {  	[sflag:s18] =	ssyncadd.s32 $0xFFFFD800  }
0xc6: {  	_ =	swait.ge [sflag:s19], $0x2800  }
0xc7: {  	[sflag:s19] =	ssyncset.done $0x0  }
0xc8: {  	s26 =	simm.s32 $0x380;
	[sflag:s19] =	ssyncadd.s32 $0xFFFFD800  }
0xc9: {  	[spmem:s5] =	stream.indirect.scatter.add.f32 [tilespmem:s17], [sflag:$0xA], $0x80, s26, s8, $0xb8;
	[tilespmem:$0x1E400] =	vst v63  }
0xca: {  	_ = 	snop  }
0xcb: {  	[spmem:s5] =	stream.indirect.scatter.add.f32 [tilespmem:s4], [sflag:$0xA], $0x80, s26, s8, $0xb8;
	[tilespmem:$0x1E400] =	vst v63  }
0xcc: {  	_ =	swait.ge [sflag:s20], $0x2800  }
0xcd: {  	[sflag:s20] =	ssyncset.done $0x0  }
0xce: {  	[sflag:s20] =	ssyncadd.s32 $0xFFFFD800  }
0xcf: {  	_ =	swait.ge [sflag:s20], $0x2800  }
0xd0: {  	s24 =	simm.s32 @!p0 $0x100;
	s1 =	rddreg [dreg:$0x8];
	[sflag:s20] =	ssyncset.done $0x0  }
0xd1: {  	s2 =	rddreg [dreg:$0x7];
	[sflag:s20] =	ssyncadd.s32 $0xFFFFD800;
	s1 =	sadd.s32 @!p0 $0x0, s1  }
0xd2: {  	[tilespmem:s24], [sflag:$0x3] =	stream.linear.gather @!p0 [hbm4b:s1+s12], $0x50, $0x38;
	[tilespmem:$0x1E400] =	vst v63  }
0xd3: {  	s2 =	sadd.s32 @!p0 $0x0, s2;
	s1 =	simm.s32 @!p0 $0x300  }
0xd4: {  	[tilespmem:s1], [sflag:$0x3] =	stream.linear.gather @!p0 [hbm4b:s2+s12], $0x50, $0x38;
	[tilespmem:$0x1E400] =	vst v63  }
0xd5: {  	_ =	swait.ge [sflag:s7], $0x50  }
0xd6: {  	[sflag:s7] =	ssyncset.done $0x0  }
0xd7: {  	[sflag:s7] =	ssyncadd.s32 $0xFFFFFFB0  }
0xd8: {  	_ =	swait.ge [sflag:s7], $0x50  }
0xd9: {  	s15 =	simm.s32 $0x200;
	s24 =	smov.u32 s3;
	[sflag:s7] =	ssyncset.done $0x0  }
0xda: {  	s12 =	simm.s32 $0x28;
	s2 =	sadd.s32 $0xA00, s3;
	[sflag:s7] =	ssyncadd.s32 $0xFFFFFFB0  }
0xdb: {  	[tilespmem:s9], [sflag:$0x5] =	stream.indirect.gather [hbm4b:s0+s8], $0x80, s6, s8, $0xb8;
	[tilespmem:$0x1E400] =	vst v63  }
.LBB2_4:
0xdc: {  	[tilespmem:s10], [sflag:$0x7] =	stream.linear.gather [hbm4b:s2+s6], $0x2800, $0x38;
	[tilespmem:$0x1E400] =	vst v63  }
0xdd: {  	_ =	swait.ge [sflag:s11], $0x2800  }
0xde: {  	[sflag:s11] =	ssyncset.done $0x0  }
0xdf: {  	[sflag:s11] =	ssyncadd.s32 $0xFFFFD800  }
0xe0: {  	_ =	swait.ge [sflag:s13], $0x2800  }
0xe1: {  	s1 =	smov.u32 s12;
	[sflag:s13] =	ssyncset.done $0x0  }
0xe2: {  	p1 =	seq.s32 s1, $0x0;
	[sflag:s13] =	ssyncadd.s32 $0xFFFFD800  }
0xe3: {  	[spmem:s5] =	stream.indirect.scatter.add.f32 [tilespmem:s9], [sflag:$0x9], $0x80, s15, s8, $0xb8;
	[tilespmem:$0x1E400] =	vst v63  }
0xe4: {  	s2 =	simm.s32 @!p1 $0xA  }
0xe5: {  	[spmem:s5] =	stream.indirect.scatter.add.f32 [tilespmem:s10], [sflag:$0x9], $0x80, s15, s8, $0xb8;
	[tilespmem:$0x1E400] =	vst v63  }
0xe6: {  	_ =	swait.ge @!p1 [sflag:s2], $0x2800  }
0xe7: {  	[sflag:s2] =	ssyncset.done @!p1 $0x0  }
0xe8: {  	[sflag:s2] =	ssyncadd.s32 @!p1 $0xFFFFD800  }
0xe9: {  	_ =	swait.ge @!p1 [sflag:s2], $0x2800  }
0xea: {  	s14 =	simm.s32 $0x180;
	[sflag:s2] =	ssyncset.done @!p1 $0x0;
	s3 =	rddreg [dreg:$0xc]  }
0xeb: {  	[sflag:s2] =	ssyncadd.s32 @!p1 $0xFFFFD800;
	s2 =	rddreg [dreg:$0xb];
	s3 =	sadd.s32 s1, s3  }
0xec: {  	[tilespmem:s14], [sflag:$0x4] =	stream.linear.gather [hbm4b:s3+s6], $0x50, $0x38;
	[tilespmem:$0x1E400] =	vst v63  }
0xed: {  	s2 =	sadd.s32 s1, s2  }
0xee: {  	[tilespmem:s26], [sflag:$0x4] =	stream.linear.gather [hbm4b:s2+s6], $0x50, $0x38;
	[tilespmem:$0x1E400] =	vst v63  }
0xef: {  	_ =	swait.ge [sflag:s16], $0x50  }
0xf0: {  	[sflag:s16] =	ssyncset.done $0x0  }
0xf1: {  	[sflag:s16] =	ssyncadd.s32 $0xFFFFFFB0  }
0xf2: {  	_ =	swait.ge [sflag:s16], $0x50  }
0xf3: {  	[sflag:s16] =	ssyncset.done $0x0  }
0xf4: {  	s24 =	sadd.s32 $0x1400, s24;
	[sflag:s16] =	ssyncadd.s32 $0xFFFFFFB0  }
0xf5: {  	[tilespmem:s17], [sflag:$0x6] =	stream.indirect.gather [hbm4b:s0+s8], $0x80, s30, s8, $0xb8;
	[tilespmem:$0x1E400] =	vst v63  }
0xf6: {  	s3 =	sadd.s32 $0xFFFFFB00, s24  }
0xf7: {  	[tilespmem:s4], [sflag:$0x8] =	stream.linear.gather [hbm4b:s3+s6], $0x2800, $0x38;
	[tilespmem:$0x1E400] =	vst v63  }
0xf8: {  	_ =	swait.ge [sflag:s18], $0x2800  }
0xf9: {  	[sflag:s18] =	ssyncset.done $0x0  }
0xfa: {  	[sflag:s18] =	ssyncadd.s32 $0xFFFFD800  }
0xfb: {  	_ =	swait.ge [sflag:s19], $0x2800  }
0xfc: {  	[sflag:s19] =	ssyncset.done $0x0  }
0xfd: {  	[sflag:s19] =	ssyncadd.s32 $0xFFFFD800  }
0xfe: {  	[spmem:s5] =	stream.indirect.scatter.add.f32 [tilespmem:s17], [sflag:$0xA], $0x80, s31, s8, $0xb8;
	[tilespmem:$0x1E400] =	vst v63  }
0xff: {  	_ = 	snop  }
0x100: {  	[spmem:s5] =	stream.indirect.scatter.add.f32 [tilespmem:s4], [sflag:$0xA], $0x80, s31, s8, $0xb8;
	[tilespmem:$0x1E400] =	vst v63  }
0x101: {  	_ =	swait.ge [sflag:s20], $0x2800  }
0x102: {  	[sflag:s20] =	ssyncset.done $0x0  }
0x103: {  	[sflag:s20] =	ssyncadd.s32 $0xFFFFD800  }
0x104: {  	s25 =	sadd.s32 $0x140, s25;
	_ =	swait.ge [sflag:s20], $0x2800  }
0x105: {  	s2 =	sshrl.u32 s25, $0x3;
	[sflag:s20] =	ssyncset.done $0x0  }
0x106: {  	s3 =	sadd.s32 s28, s2;
	[sflag:s20] =	ssyncadd.s32 $0xFFFFD800  }
0x107: {  	[tilespmem:s6], [sflag:$0x1] =	stream.linear.gather [hbm4b:s3+s6], $0x50, $0x38;
	[tilespmem:$0x1E400] =	vst v63  }
0x108: {  	s2 =	sadd.s32 s29, s2  }
0x109: {  	[tilespmem:s15], [sflag:$0x1] =	stream.linear.gather [hbm4b:s2+s6], $0x50, $0x38;
	[tilespmem:$0x1E400] =	vst v63  }
0x10a: {  	_ =	swait.ge [sflag:s21], $0x50  }
0x10b: {  	[sflag:s21] =	ssyncset.done $0x0  }
0x10c: {  	[sflag:s21] =	ssyncadd.s32 $0xFFFFFFB0  }
0x10d: {  	_ =	swait.ge [sflag:s21], $0x50  }
0x10e: {  	[sflag:s21] =	ssyncset.done $0x0  }
0x10f: {  	s3 =	simm.s32 $0x100;
	[sflag:s21] =	ssyncadd.s32 $0xFFFFFFB0  }
0x110: {  	[tilespmem:s9], [sflag:$0x5] =	stream.indirect.gather [hbm4b:s0+s8], $0x80, s3, s8, $0xb8;
	[tilespmem:$0x1E400] =	vst v63  }
0x111: {  	_ = 	snop  }
0x112: {  	[tilespmem:s10], [sflag:$0x7] =	stream.linear.gather [hbm4b:s24+s6], $0x2800, $0x38;
	[tilespmem:$0x1E400] =	vst v63  }
0x113: {  	_ =	swait.ge [sflag:s11], $0x2800  }
0x114: {  	[sflag:s11] =	ssyncset.done $0x0  }
0x115: {  	[sflag:s11] =	ssyncadd.s32 $0xFFFFD800  }
0x116: {  	_ =	swait.ge [sflag:s13], $0x2800  }
0x117: {  	[sflag:s13] =	ssyncset.done $0x0  }
0x118: {  	s3 =	simm.s32 $0x300;
	[sflag:s13] =	ssyncadd.s32 $0xFFFFD800  }
0x119: {  	[spmem:s5] =	stream.indirect.scatter.add.f32 [tilespmem:s9], [sflag:$0x9], $0x80, s3, s8, $0xb8;
	[tilespmem:$0x1E400] =	vst v63  }
0x11a: {  	_ = 	snop  }
0x11b: {  	[spmem:s5] =	stream.indirect.scatter.add.f32 [tilespmem:s10], [sflag:$0x9], $0x80, s3, s8, $0xb8;
	[tilespmem:$0x1E400] =	vst v63  }
0x11c: {  	_ =	swait.ge [sflag:s22], $0x2800  }
0x11d: {  	[sflag:s22] =	ssyncset.done $0x0  }
0x11e: {  	[sflag:s22] =	ssyncadd.s32 $0xFFFFD800  }
0x11f: {  	p1 =	seq.s32 s1, $0x4B0;
	_ =	swait.ge [sflag:s22], $0x2800  }
0x120: {  	s30 =	simm.s32 @!p1 $0x80;
	s2 =	rddreg [dreg:$0xa]  }
0x121: {  	s31 =	smov.u32 s28;
	[sflag:s22] =	ssyncset.done $0x0;
	s3 =	rddreg [dreg:$0x9]  }
0x122: {  	[sflag:s22] =	ssyncadd.s32 $0xFFFFD800;
	s28 =	sadd.s32 @!p1 s1, s2;
	s2 =	simm.s32 @!p1 $0x0  }
0x123: {  	[tilespmem:s30], [sflag:$0x2] =	stream.linear.gather @!p1 [hbm4b:s28+s2], $0x50, $0x38;
	[tilespmem:$0x1E400] =	vst v63  }
0x124: {  	s3 =	sadd.s32 @!p1 s1, s3;
	s28 =	simm.s32 @!p1 $0x280  }
0x125: {  	[tilespmem:s28], [sflag:$0x2] =	stream.linear.gather @!p1 [hbm4b:s3+s2], $0x50, $0x38;
	[tilespmem:$0x1E400] =	vst v63  }
0x126: {  	_ =	swait.ge [sflag:s23], $0x50  }
0x127: {  	[sflag:s23] =	ssyncset.done $0x0  }
0x128: {  	[sflag:s23] =	ssyncadd.s32 $0xFFFFFFB0  }
0x129: {  	_ =	swait.ge [sflag:s23], $0x50  }
0x12a: {  	[sflag:s23] =	ssyncset.done $0x0  }
0x12b: {  	[sflag:s23] =	ssyncadd.s32 $0xFFFFFFB0  }
0x12c: {  	[tilespmem:s17], [sflag:$0x6] =	stream.indirect.gather [hbm4b:s0+s8], $0x80, s14, s8, $0xb8;
	[tilespmem:$0x1E400] =	vst v63  }
0x12d: {  	s3 =	sadd.s32 $0x500, s24  }
0x12e: {  	[tilespmem:s4], [sflag:$0x8] =	stream.linear.gather [hbm4b:s3+s6], $0x2800, $0x38;
	[tilespmem:$0x1E400] =	vst v63  }
0x12f: {  	_ =	swait.ge [sflag:s18], $0x2800  }
0x130: {  	[sflag:s18] =	ssyncset.done $0x0  }
0x131: {  	[sflag:s18] =	ssyncadd.s32 $0xFFFFD800  }
0x132: {  	_ =	swait.ge [sflag:s19], $0x2800  }
0x133: {  	[sflag:s19] =	ssyncset.done $0x0  }
0x134: {  	[sflag:s19] =	ssyncadd.s32 $0xFFFFD800  }
0x135: {  	[spmem:s5] =	stream.indirect.scatter.add.f32 [tilespmem:s17], [sflag:$0xA], $0x80, s26, s8, $0xb8;
	[tilespmem:$0x1E400] =	vst v63  }
0x136: {  	_ = 	snop  }
0x137: {  	[spmem:s5] =	stream.indirect.scatter.add.f32 [tilespmem:s4], [sflag:$0xA], $0x80, s26, s8, $0xb8;
	[tilespmem:$0x1E400] =	vst v63  }
0x138: {  	_ =	swait.ge [sflag:s20], $0x2800  }
0x139: {  	[sflag:s20] =	ssyncset.done $0x0  }
0x13a: {  	[sflag:s20] =	ssyncadd.s32 $0xFFFFD800  }
0x13b: {  	_ =	swait.ge [sflag:s20], $0x2800  }
0x13c: {  	s30 =	simm.s32 @!p1 $0x100;
	s3 =	rddreg [dreg:$0x8];
	[sflag:s20] =	ssyncset.done $0x0  }
0x13d: {  	s28 =	rddreg [dreg:$0x7];
	[sflag:s20] =	ssyncadd.s32 $0xFFFFD800;
	s3 =	sadd.s32 @!p1 s1, s3  }
0x13e: {  	[tilespmem:s30], [sflag:$0x3] =	stream.linear.gather @!p1 [hbm4b:s3+s2], $0x50, $0x38;
	[tilespmem:$0x1E400] =	vst v63  }
0x13f: {  	s14 =	simm.s32 @!p1 $0x300;
	s1 =	sadd.s32 @!p1 s1, s28  }
0x140: {  	[tilespmem:s14], [sflag:$0x3] =	stream.linear.gather @!p1 [hbm4b:s1+s2], $0x50, $0x38;
	[tilespmem:$0x1E400] =	vst v63  }
0x141: {  	s12 =	sadd.s32 $0x28, s12;
	_ =	swait.ge [sflag:s7], $0x50  }
0x142: {  	p0 =	sne.s32 s12, $0x4D8;
	[sflag:s7] =	ssyncset.done $0x0  }
.Ltmp1:
0x143: {  	[sflag:s7] =	ssyncadd.s32 $0xFFFFFFB0;
	(pc) =	sbr.rel @p0 .LBB2_4-.Ltmp1, $4  }
0x144: {  	_ =	swait.ge [sflag:s7], $0x50  }
0x145: {  	s28 =	smov.u32 s31;
	s31 =	simm.s32 $0x280;
	[sflag:s7] =	ssyncset.done $0x0  }
0x146: {  	s30 =	simm.s32 $0x80;
	s2 =	sadd.s32 $0xA00, s24;
	[sflag:s7] =	ssyncadd.s32 $0xFFFFFFB0  }
0x147: {  	[tilespmem:s9], [sflag:$0x5] =	stream.indirect.gather [hbm4b:s0+s8], $0x80, s6, s8, $0xb8;
	[tilespmem:$0x1E400] =	vst v63  }
0x148: {  	[tilespmem:s10], [sflag:$0x7] =	stream.linear.gather [hbm4b:s2+s6], $0x2800, $0x38;
	[tilespmem:$0x1E400] =	vst v63  }
0x149: {  	_ =	swait.ge [sflag:s11], $0x2800  }
0x14a: {  	[sflag:s11] =	ssyncset.done $0x0  }
0x14b: {  	[sflag:s11] =	ssyncadd.s32 $0xFFFFD800  }
0x14c: {  	_ =	swait.ge [sflag:s13], $0x2800  }
0x14d: {  	[sflag:s13] =	ssyncset.done $0x0  }
0x14e: {  	[sflag:s13] =	ssyncadd.s32 $0xFFFFD800  }
0x14f: {  	[spmem:s5] =	stream.indirect.scatter.add.f32 [tilespmem:s9], [sflag:$0x9], $0x80, s15, s8, $0xb8;
	[tilespmem:$0x1E400] =	vst v63  }
0x150: {  	_ = 	snop  }
0x151: {  	[spmem:s5] =	stream.indirect.scatter.add.f32 [tilespmem:s10], [sflag:$0x9], $0x80, s15, s8, $0xb8;
	[tilespmem:$0x1E400] =	vst v63  }
0x152: {  	_ =	swait.ge [sflag:s22], $0x2800  }
0x153: {  	[sflag:s22] =	ssyncset.done $0x0  }
0x154: {  	[sflag:s22] =	ssyncadd.s32 $0xFFFFD800  }
0x155: {  	_ =	swait.ge [sflag:s22], $0x2800  }
0x156: {  	[sflag:s22] =	ssyncset.done $0x0  }
0x157: {  	[sflag:s22] =	ssyncadd.s32 $0xFFFFD800  }
0x158: {  	_ =	swait.ge [sflag:s20], $0x2800  }
0x159: {  	[sflag:s20] =	ssyncset.done $0x0  }
0x15a: {  	[sflag:s20] =	ssyncadd.s32 $0xFFFFD800  }
0x15b: {  	_ =	swait.ge [sflag:s20], $0x2800  }
0x15c: {  	[sflag:s20] =	ssyncset.done $0x0  }
0x15d: {  	[sflag:s20] =	ssyncadd.s32 $0xFFFFD800  }
0x15e: {  	s1 =	stileid.u32;
	[bflag:$0x0] =	sbarrier.arrive $0xFFFF  }
0x15f: {  	s1 =	sshll.u32 s1, $0x6;
	s14 =	rddreg [dreg:$0x12]  }
0x160: {  	s1 =	sor.u32 $0x1C0B, s1;
	s3 =	rddreg [dreg:$0x16];
	s25 =	sshrl.u32 s14, $0x3  }
0x161: {  	[hbm:s3], [sflag:s1] =	dma.local [spmem:s25], $0x2800  }
0x162: {  	s3 =	simm.s32 $0xB  }
0x163: {  	_ =	swait.ge [sflag:s3], $0x2800  }
0x164: {  	s12 =	sld [smem:$0x7FD];
	_ =	sdelay $0x2  }
0x165: {  	s26 =	rddreg [dreg:$0x1d];
	s12 =	sadd.s32 $0x1, s12  }
0x166: {  	p0 =	sne.s32 s12, s26  }
.Ltmp2:
0x167: {  	_ = 	snop;
	(pc) =	sbr.rel @p0 .LBB2_1-.Ltmp2, $4  }
0x168: {  	_ = 	snop  }
0x169: {  	s24 =	simm.s32 $0x100  }
0x16a: {  	s2 =	simm.s32 $0x300;
	s15 =	simm.s32 $0x200;
	[sflag:s3] =	ssyncset.done $0x0  }
0x16b: {  	s25 =	simm.s32 $0x180;
	[sflag:s3] =	ssyncadd.s32 $0xFFFFD800;
	s26 =	simm.s32 $0x380  }
0x16c: {  	_ =	sfence.sel $0x180000  }
0x16d: {  	[bflag:$0x0] =	sbarrier.arrive $0xFFFF  }
0x16e: {  	_ =	strace $0x90000047  }
0x16f: {  	s0 =	stileid.u32;
	[bflag:$0x2] =	sbarrier.arrive $0xFFFF  }
0x170: {  	p0 =	sne.s32 s0, $0x0;
	s0 =	rddreg [dreg:$0x6]  }
0x171: {  	s0 =	sadd.s32 @!p0 $0x100000, s0  }
0x172: {  	[sflag:s0] =	ssyncadd.tile.s32 @!p0 $0x1;
	_ =	shalt  }
.Lfunc_end2:
_tile_overlayer_lowered:
.L_overlay_start_2:
0x173: {  	(tag) =	ssettag $0x2  }
0x174: {  	s0 =	rddreg [dreg:$0x0];
	s2 =	stileid.u32  }
0x175: {  	s1 =	rddreg [dreg:$0x1];
	p0 =	sne.s32 s2, $0x0  }
0x176: {  	s3 =	rddreg [dreg:$0x2];
	[bflag:$0x3] =	sbarrier.arrive $0xFFFF;
	s2 =	simm.s32 @!p0 $0x1C0B  }
0x177: {  	[timem:s3], [sflag:s2] =	dma.local @!p0 [hbm:s0], s1  }
0x178: {  	s0 =	simm.s32 @!p0 $0xB  }
0x179: {  	_ =	swait.ge @!p0 [sflag:s0], s1  }
0x17a: {  	s1 =	ssub.s32 @!p0 $0x0, s1;
	[sflag:s0] =	ssyncset.done @!p0 $0x0  }
0x17b: {  	[sflag:s0] =	ssyncadd.s32 @!p0 s1  }
0x17c: {  	[bflag:$0x3] =	sbarrier.arrive $0xFFFF  }
0x17d: {  	_ =	shalt  }

</sc_bundles>
